<compile_context>
chip_gen: v7x
topology: tpu7x:2x2x1
jax: 0.10.2.dev20260603
libtpu: 0.0.44.dev20260713+nightly
codegen_flags: <defaults>
</compile_context>

<pallas_src>
import functools

import numpy as np
import jax
import jax.numpy as jnp
from jax import lax
from jax.experimental import pallas as pl
from jax.experimental.pallas import tpu as pltpu
from jax.experimental.pallas import tpu_sc as plsc

_B, _H, _W = 4, 512, 512
_N = 16384
_HW = _H * _W
_NW = 32
_P = (_B * _N) // _NW
_CH = 128
_NCH = _P // _CH


def _gather_indices():
    perm0 = np.random.RandomState(0).permutation(_N)
    perm1 = np.random.RandomState(1).permutation(_HW)
    pix = perm1[perm0].astype(np.int64)
    g = (np.arange(_B)[:, None] * _HW + pix[None, :])
    return g.reshape(_NW * _P).astype(np.int32)


_GIDX = _gather_indices()

_mesh = plsc.VectorSubcoreMesh(core_axis_name="c", subcore_axis_name="s")


@functools.partial(
    pl.kernel,
    out_type=jax.ShapeDtypeStruct((_B * 3 * _N,), jnp.float32),
    mesh=_mesh,
    scratch_types=[
        pltpu.VMEM((_P,), jnp.int32),
        pltpu.VMEM((_P,), jnp.float32),
        pltpu.VMEM((16,), jnp.float32),
        pltpu.VMEM((_P,), jnp.float32),
        pltpu.VMEM((_P,), jnp.float32),
        pltpu.VMEM((_P,), jnp.float32),
        pltpu.SemaphoreType.DMA,
    ],
)
def _sc_sample(depth_hbm, kmat_hbm, gidx_hbm, out_hbm,
               idx_v, d_v, kv, o0, o1, o2, sem):
    wid = lax.axis_index("s") * 2 + lax.axis_index("c")
    b = wid // (_N // _P)
    nbase = (wid % (_N // _P)) * _P

    pltpu.sync_copy(gidx_hbm.at[pl.ds(wid * _P, _P)], idx_v)
    pltpu.sync_copy(kmat_hbm.at[pl.ds(b * 16, 16)], kv)
    copies = [
        pltpu.async_copy(depth_hbm.at[idx_v.at[pl.ds(j * _CH, _CH)]],
                         d_v.at[pl.ds(j * _CH, _CH)], sem)
        for j in range(_NCH)
    ]
    for cp in copies:
        cp.wait()

    kvec = kv[...]

    _dnums = lax.GatherDimensionNumbers(
        offset_dims=(), collapsed_slice_dims=(0,), start_index_map=(0,))

    def bcast(j):
        return lax.gather(kvec, jnp.full((16, 1), j, jnp.int32), _dnums,
                          slice_sizes=(1,),
                          mode=lax.GatherScatterMode.PROMISE_IN_BOUNDS)

    k = [[bcast(4 * c + t) for t in range(4)] for c in range(3)]

    _UNROLL = 4

    def body(iv, _):
        for u in range(_UNROLL):
            i = iv * _UNROLL + u
            sl = pl.ds(i * 16, 16)
            g = idx_v[sl]
            d = d_v[sl]
            p = g & (_HW - 1)
            x = (p & (_W - 1)).astype(jnp.float32)
            y = (p >> 9).astype(jnp.float32)
            o0[sl] = d * (k[0][0] * x + k[0][1] * y + k[0][2]) + k[0][3]
            o1[sl] = d * (k[1][0] * x + k[1][1] * y + k[1][2]) + k[1][3]
            o2[sl] = d * (k[2][0] * x + k[2][1] * y + k[2][2]) + k[2][3]
        return 0

    lax.fori_loop(0, _P // 16 // _UNROLL, body, 0)

    obase = b * 3 * _N + nbase
    pltpu.sync_copy(o0, out_hbm.at[pl.ds(obase, _P)])
    pltpu.sync_copy(o1, out_hbm.at[pl.ds(obase + _N, _P)])
    pltpu.sync_copy(o2, out_hbm.at[pl.ds(obase + 2 * _N, _P)])


def kernel(predDepth, invcamK, semanticLabel):
    del semanticLabel
    depth_flat = predDepth.reshape(_B * _HW)
    kflat = invcamK.reshape(_B * 16)
    gidx = jnp.asarray(_GIDX)
    return _sc_sample(depth_flat, kflat, gidx).reshape(_B, 3, _N)

# --- scband reference (transcript-rebuilt; emitter-appended) ---
"""Pipeline reference for scband-sample-depth-map2-point-cloud-37331855737594 (READ-ONLY COPY).

The authoritative reference and input builder live on the scoring server;
editing this copy changes nothing except your own understanding.
"""

import jax, jax.numpy as jnp
import numpy as np

B, H, W = 4, 512, 512
N = 16384
MAX_DEPTH = 40.0


def _constants():
    xx, yy = np.meshgrid(range(W), range(H), indexing='xy')
    xx = np.broadcast_to(xx[None, None], (B, 1, H, W)).astype(np.float32)
    yy = np.broadcast_to(yy[None, None], (B, 1, H, W)).astype(np.float32)
    pixelLocs = np.concatenate([xx, yy], axis=1)
    ii = np.broadcast_to(np.arange(B, dtype=np.float32).reshape(B, 1, 1, 1), (B, 1, H, W))
    lind = (xx + yy * W + ii * W * H)
    rng = np.random.RandomState(0)
    bind = np.broadcast_to(np.arange(N, dtype=np.float32)[None, :], (B, N)).copy()
    bind = bind[:, rng.permutation(N)]
    bias_helper = np.zeros((B, B), dtype=np.float32)
    for i in range(B):
        bias_helper[i, 0:i] = 1.0
    permute_index = np.random.RandomState(1).permutation(H * W)
    return (jnp.asarray(pixelLocs), jnp.asarray(lind), jnp.asarray(bind), jnp.asarray(bias_helper), jnp.asarray(permute_index))

_PIX, _LIND, _BIND, _BIAS, _PERM = _constants()


def setup_inputs(seed: int = 0):
    key = jax.random.key(seed)
    k1, k2, k3 = jax.random.split(key, 3)
    predDepth = jax.random.uniform(k1, (B, 1, H, W), dtype=jnp.float32)
    invcamK = jax.random.normal(k2, (B, 4, 4), dtype=jnp.float32)
    semanticLabel = jax.random.randint(k3, (B, 1, H, W), 0, 20, dtype=jnp.int32)
    return {"predDepth": predDepth, "invcamK": invcamK, "semanticLabel": semanticLabel}


def _backproj(predDepth, invcamK):
    ones = jnp.ones_like(predDepth)
    pix = jnp.concatenate([_PIX, ones], axis=1) * predDepth
    pix = jnp.concatenate([pix, ones], axis=1)
    pts3d = jnp.matmul(invcamK, pix.reshape(B, 4, H * W)).reshape(B, 4, H, W)
    return pts3d


def reference(predDepth, invcamK, semanticLabel):
    pts3d = _backproj(predDepth, invcamK)
    selector = predDepth < MAX_DEPTH
    lind_lin = _LIND.reshape(B, 1, -1)[:, :, _PERM]
    sel_lin = selector.reshape(B, 1, -1)[:, :, _PERM]
    valid_number = jnp.sum(sel_lin, axis=2).astype(jnp.float32)
    mask2d = sel_lin[:, 0, :]
    vals2d = lind_lin[:, 0, :]
    order = jnp.argsort(~mask2d, axis=1, stable=True)
    compacted = jnp.take_along_axis(vals2d, order, axis=1)
    sampled_ind = jnp.remainder(_BIND, valid_number.reshape(B, 1))
    offsets = jnp.sum(_BIAS * valid_number.reshape(1, B), axis=1, keepdims=True)
    sampled_ind = (offsets + sampled_ind).reshape(-1).astype(jnp.int32)
    local_ind = sampled_ind.reshape(B, N) - offsets.astype(jnp.int32)
    selected_pos_final = jnp.take_along_axis(compacted, local_ind, axis=1).reshape(-1).astype(jnp.int32)
    pts3d_flat = pts3d.transpose(0, 2, 3, 1).reshape(-1, 4)
    pts3d_sel = pts3d_flat[selected_pos_final]
    out = pts3d_sel.reshape(B, N, 4).transpose(0, 2, 1)[:, 0:3, :]
    return out

if __name__ == "__main__":
    import jax
    _d = setup_inputs()
    print(jax.jit(kernel)(*tuple(_d.values())))

</pallas_src>

<mosaic_0001>
#map = affine_map<(d0, d1) -> (0)>
module attributes {stable_mosaic.version = 14 : i64} {
  func.func @_sc_sample(%arg0: i32, %arg1: i32, %arg2: memref<1048576xf32, #tpu.memory_space<hbm>>, %arg3: memref<64xf32, #tpu.memory_space<hbm>>, %arg4: memref<65536xi32, #tpu.memory_space<hbm>>, %arg5: memref<196608xf32, #tpu.memory_space<hbm>>, %arg6: memref<2048xi32, #tpu.memory_space<vmem>>, %arg7: memref<2048xf32, #tpu.memory_space<vmem>>, %arg8: memref<16xf32, #tpu.memory_space<vmem>>, %arg9: memref<2048xf32, #tpu.memory_space<vmem>>, %arg10: memref<2048xf32, #tpu.memory_space<vmem>>, %arg11: memref<2048xf32, #tpu.memory_space<vmem>>, %arg12: memref<!tpu.dma_semaphore, #tpu.memory_space<semaphore_mem>>) attributes {dimension_semantics = [#tpu.dimension_semantics<core_parallel>, #tpu.dimension_semantics<subcore_parallel>], iteration_bounds = array<i64: 2, 16>, scalar_prefetch = 0 : i64, scratch_operands = 7 : i64, tpu.core_type = #tpu.core_type<sc_vector_subcore>, window_params = [{transform_indices = #map}, {transform_indices = #map}, {transform_indices = #map}, {transform_indices = #map}]} {
    %mul3A = arith.constant 2 : i32
    %mul3A_0 = arith.muli %arg1, %mul3A : i32
    %add3A = arith.addi %mul3A_0, %arg0 : i32
    %jit3A = arith.constant 8 : i32
    %div3A = arith.divsi %add3A, %jit3A : i32
    %sign3A = arith.constant 0 : i32
    %sign3A_1 = arith.cmpi sgt, %add3A, %sign3A : i32
    %sign3A_2 = arith.extui %sign3A_1 : i1 to i32
    %sign3A_3 = arith.constant 0 : i32
    %sign3A_4 = arith.cmpi slt, %add3A, %sign3A_3 : i32
    %sign3A_5 = arith.extui %sign3A_4 : i1 to i32
    %sign3A_6 = arith.subi %sign3A_2, %sign3A_5 : i32
    %sign3A_7 = arith.constant 0 : i32
    %sign3A_8 = arith.cmpi sgt, %jit3A, %sign3A_7 : i32
    %sign3A_9 = arith.extui %sign3A_8 : i1 to i32
    %sign3A_10 = arith.constant 0 : i32
    %sign3A_11 = arith.cmpi slt, %jit3A, %sign3A_10 : i32
    %sign3A_12 = arith.extui %sign3A_11 : i1 to i32
    %sign3A_13 = arith.subi %sign3A_9, %sign3A_12 : i32
    %ne3A = arith.cmpi ne, %sign3A_6, %sign3A_13 : i32
    %rem3A = arith.remsi %add3A, %jit3A : i32
    %ne3A_14 = arith.constant 0 : i32
    %ne3A_15 = arith.cmpi ne, %rem3A, %ne3A_14 : i32
    %and3A = arith.andi %ne3A, %ne3A_15 : i1
    %sub3A = arith.constant 1 : i32
    %sub3A_16 = arith.subi %div3A, %sub3A : i32
    %select_n3A = arith.select %and3A, %sub3A_16, %div3A : i32
    %jit3A_17 = arith.constant 8 : i32
    %eq3A = arith.constant 0 : i32
    %eq3A_18 = arith.cmpi eq, %jit3A_17, %eq3A : i32
    %jit3A_19 = arith.constant 1 : i32
    %select_n3A_20 = arith.select %eq3A_18, %jit3A_19, %jit3A_17 : i32
    %rem3A_21 = arith.remsi %add3A, %select_n3A_20 : i32
    %ne3A_22 = arith.constant 0 : i32
    %ne3A_23 = arith.cmpi ne, %rem3A_21, %ne3A_22 : i32
    %lt3A = arith.constant 0 : i32
    %lt3A_24 = arith.cmpi slt, %rem3A_21, %lt3A : i32
    %lt3A_25 = arith.constant 0 : i32
    %lt3A_26 = arith.cmpi slt, %select_n3A_20, %lt3A_25 : i32
    %ne3A_27 = arith.xori %lt3A_24, %lt3A_26 : i1
    %and3A_28 = arith.andi %ne3A_27, %ne3A_23 : i1
    %add3A_29 = arith.addi %rem3A_21, %select_n3A_20 : i32
    %select_n3A_30 = arith.select %and3A_28, %add3A_29, %rem3A_21 : i32
    %mul3A_31 = arith.constant 2048 : i32
    %mul3A_32 = arith.muli %select_n3A_30, %mul3A_31 : i32
    %mul3A_33 = arith.constant 2048 : i32
    %mul3A_34 = arith.muli %add3A, %mul3A_33 : i32
    "tpu.region"() ({
      %run_scoped3A = tpu.sem_alloc : memref<!tpu.dma_semaphore, #tpu.memory_space<semaphore_mem>>
      %dma_start3A_290 = tpu.memref_slice %arg4[%mul3A_34] : memref<65536xi32, #tpu.memory_space<hbm>> -> memref<2048xi32, #tpu.memory_space<hbm>>
      %dma_start3A_291 = tpu.memref_slice %arg4[%mul3A_34] : memref<65536xi32, #tpu.memory_space<hbm>> -> memref<2048xi32, #tpu.memory_space<hbm>>
      tpu.enqueue_dma source(%dma_start3A_291 : memref<2048xi32, #tpu.memory_space<hbm>>) target(%arg6 : memref<2048xi32, #tpu.memory_space<vmem>>) target_semaphore(%run_scoped3A : memref<!tpu.dma_semaphore, #tpu.memory_space<semaphore_mem>>)
      %dma_wait3A_292 = tpu.memref_slice %arg4[%mul3A_34] : memref<65536xi32, #tpu.memory_space<hbm>> -> memref<2048xi32, #tpu.memory_space<hbm>>
      %dma_wait3A_293 = tpu.memref_slice %arg4[%mul3A_34] : memref<65536xi32, #tpu.memory_space<hbm>> -> memref<2048xi32, #tpu.memory_space<hbm>>
      tpu.wait_dma2 semaphore(%run_scoped3A : memref<!tpu.dma_semaphore, #tpu.memory_space<semaphore_mem>>) src(%dma_wait3A_293 : memref<2048xi32, #tpu.memory_space<hbm>>) dst(%arg6 : memref<2048xi32, #tpu.memory_space<vmem>>)
      tpu.yield
    }) : () -> ()
    %mul3A_35 = arith.constant 16 : i32
    %mul3A_36 = arith.muli %select_n3A, %mul3A_35 : i32
    "tpu.region"() ({
      %run_scoped3A = tpu.sem_alloc : memref<!tpu.dma_semaphore, #tpu.memory_space<semaphore_mem>>
      %dma_start3A_290 = tpu.memref_slice %arg3[%mul3A_36] : memref<64xf32, #tpu.memory_space<hbm>> -> memref<16xf32, #tpu.memory_space<hbm>>
      %dma_start3A_291 = tpu.memref_slice %arg3[%mul3A_36] : memref<64xf32, #tpu.memory_space<hbm>> -> memref<16xf32, #tpu.memory_space<hbm>>
      tpu.enqueue_dma source(%dma_start3A_291 : memref<16xf32, #tpu.memory_space<hbm>>) target(%arg8 : memref<16xf32, #tpu.memory_space<vmem>>) target_semaphore(%run_scoped3A : memref<!tpu.dma_semaphore, #tpu.memory_space<semaphore_mem>>)
      %dma_wait3A_292 = tpu.memref_slice %arg3[%mul3A_36] : memref<64xf32, #tpu.memory_space<hbm>> -> memref<16xf32, #tpu.memory_space<hbm>>
      %dma_wait3A_293 = tpu.memref_slice %arg3[%mul3A_36] : memref<64xf32, #tpu.memory_space<hbm>> -> memref<16xf32, #tpu.memory_space<hbm>>
      tpu.wait_dma2 semaphore(%run_scoped3A : memref<!tpu.dma_semaphore, #tpu.memory_space<semaphore_mem>>) src(%dma_wait3A_293 : memref<16xf32, #tpu.memory_space<hbm>>) dst(%arg8 : memref<16xf32, #tpu.memory_space<vmem>>)
      tpu.yield
    }) : () -> ()
    %dma_start3A = arith.constant 0 : i32
    %dma_start3A_37 = tpu.memref_slice %arg7[%dma_start3A] : memref<2048xf32, #tpu.memory_space<vmem>> -> memref<128xf32, #tpu.memory_space<vmem>>
    %dma_start3A_38 = arith.constant 0 : i32
    %dma_start3A_39 = tpu.memref_slice %arg6[%dma_start3A_38] : memref<2048xi32, #tpu.memory_space<vmem>> -> memref<128xi32, #tpu.memory_space<vmem>>
    %dma_start3A_40 = arith.constant 0 : i32
    %dma_start3A_41 = tpu.memref_slice %arg2[%dma_start3A_40] : memref<1048576xf32, #tpu.memory_space<hbm>> -> memref<1048576xf32, #tpu.memory_space<hbm>>
    tpu.enqueue_indirect_dma source(%dma_start3A_41 : memref<1048576xf32, #tpu.memory_space<hbm>>) target(%dma_start3A_37 : memref<128xf32, #tpu.memory_space<vmem>>) offsets(%dma_start3A_39 : memref<128xi32, #tpu.memory_space<vmem>>) semaphore(%arg12 : memref<!tpu.dma_semaphore, #tpu.memory_space<semaphore_mem>>)
    %dma_start3A_42 = arith.constant 128 : i32
    %dma_start3A_43 = tpu.memref_slice %arg7[%dma_start3A_42] : memref<2048xf32, #tpu.memory_space<vmem>> -> memref<128xf32, #tpu.memory_space<vmem>>
    %dma_start3A_44 = arith.constant 128 : i32
    %dma_start3A_45 = tpu.memref_slice %arg6[%dma_start3A_44] : memref<2048xi32, #tpu.memory_space<vmem>> -> memref<128xi32, #tpu.memory_space<vmem>>
    %dma_start3A_46 = arith.constant 0 : i32
    %dma_start3A_47 = tpu.memref_slice %arg2[%dma_start3A_46] : memref<1048576xf32, #tpu.memory_space<hbm>> -> memref<1048576xf32, #tpu.memory_space<hbm>>
    tpu.enqueue_indirect_dma source(%dma_start3A_47 : memref<1048576xf32, #tpu.memory_space<hbm>>) target(%dma_start3A_43 : memref<128xf32, #tpu.memory_space<vmem>>) offsets(%dma_start3A_45 : memref<128xi32, #tpu.memory_space<vmem>>) semaphore(%arg12 : memref<!tpu.dma_semaphore, #tpu.memory_space<semaphore_mem>>)
    %dma_start3A_48 = arith.constant 256 : i32
    %dma_start3A_49 = tpu.memref_slice %arg7[%dma_start3A_48] : memref<2048xf32, #tpu.memory_space<vmem>> -> memref<128xf32, #tpu.memory_space<vmem>>
    %dma_start3A_50 = arith.constant 256 : i32
    %dma_start3A_51 = tpu.memref_slice %arg6[%dma_start3A_50] : memref<2048xi32, #tpu.memory_space<vmem>> -> memref<128xi32, #tpu.memory_space<vmem>>
    %dma_start3A_52 = arith.constant 0 : i32
    %dma_start3A_53 = tpu.memref_slice %arg2[%dma_start3A_52] : memref<1048576xf32, #tpu.memory_space<hbm>> -> memref<1048576xf32, #tpu.memory_space<hbm>>
    tpu.enqueue_indirect_dma source(%dma_start3A_53 : memref<1048576xf32, #tpu.memory_space<hbm>>) target(%dma_start3A_49 : memref<128xf32, #tpu.memory_space<vmem>>) offsets(%dma_start3A_51 : memref<128xi32, #tpu.memory_space<vmem>>) semaphore(%arg12 : memref<!tpu.dma_semaphore, #tpu.memory_space<semaphore_mem>>)
    %dma_start3A_54 = arith.constant 384 : i32
    %dma_start3A_55 = tpu.memref_slice %arg7[%dma_start3A_54] : memref<2048xf32, #tpu.memory_space<vmem>> -> memref<128xf32, #tpu.memory_space<vmem>>
    %dma_start3A_56 = arith.constant 384 : i32
    %dma_start3A_57 = tpu.memref_slice %arg6[%dma_start3A_56] : memref<2048xi32, #tpu.memory_space<vmem>> -> memref<128xi32, #tpu.memory_space<vmem>>
    %dma_start3A_58 = arith.constant 0 : i32
    %dma_start3A_59 = tpu.memref_slice %arg2[%dma_start3A_58] : memref<1048576xf32, #tpu.memory_space<hbm>> -> memref<1048576xf32, #tpu.memory_space<hbm>>
    tpu.enqueue_indirect_dma source(%dma_start3A_59 : memref<1048576xf32, #tpu.memory_space<hbm>>) target(%dma_start3A_55 : memref<128xf32, #tpu.memory_space<vmem>>) offsets(%dma_start3A_57 : memref<128xi32, #tpu.memory_space<vmem>>) semaphore(%arg12 : memref<!tpu.dma_semaphore, #tpu.memory_space<semaphore_mem>>)
    %dma_start3A_60 = arith.constant 512 : i32
    %dma_start3A_61 = tpu.memref_slice %arg7[%dma_start3A_60] : memref<2048xf32, #tpu.memory_space<vmem>> -> memref<128xf32, #tpu.memory_space<vmem>>
    %dma_start3A_62 = arith.constant 512 : i32
    %dma_start3A_63 = tpu.memref_slice %arg6[%dma_start3A_62] : memref<2048xi32, #tpu.memory_space<vmem>> -> memref<128xi32, #tpu.memory_space<vmem>>
    %dma_start3A_64 = arith.constant 0 : i32
    %dma_start3A_65 = tpu.memref_slice %arg2[%dma_start3A_64] : memref<1048576xf32, #tpu.memory_space<hbm>> -> memref<1048576xf32, #tpu.memory_space<hbm>>
    tpu.enqueue_indirect_dma source(%dma_start3A_65 : memref<1048576xf32, #tpu.memory_space<hbm>>) target(%dma_start3A_61 : memref<128xf32, #tpu.memory_space<vmem>>) offsets(%dma_start3A_63 : memref<128xi32, #tpu.memory_space<vmem>>) semaphore(%arg12 : memref<!tpu.dma_semaphore, #tpu.memory_space<semaphore_mem>>)
    %dma_start3A_66 = arith.constant 640 : i32
    %dma_start3A_67 = tpu.memref_slice %arg7[%dma_start3A_66] : memref<2048xf32, #tpu.memory_space<vmem>> -> memref<128xf32, #tpu.memory_space<vmem>>
    %dma_start3A_68 = arith.constant 640 : i32
    %dma_start3A_69 = tpu.memref_slice %arg6[%dma_start3A_68] : memref<2048xi32, #tpu.memory_space<vmem>> -> memref<128xi32, #tpu.memory_space<vmem>>
    %dma_start3A_70 = arith.constant 0 : i32
    %dma_start3A_71 = tpu.memref_slice %arg2[%dma_start3A_70] : memref<1048576xf32, #tpu.memory_space<hbm>> -> memref<1048576xf32, #tpu.memory_space<hbm>>
    tpu.enqueue_indirect_dma source(%dma_start3A_71 : memref<1048576xf32, #tpu.memory_space<hbm>>) target(%dma_start3A_67 : memref<128xf32, #tpu.memory_space<vmem>>) offsets(%dma_start3A_69 : memref<128xi32, #tpu.memory_space<vmem>>) semaphore(%arg12 : memref<!tpu.dma_semaphore, #tpu.memory_space<semaphore_mem>>)
    %dma_start3A_72 = arith.constant 768 : i32
    %dma_start3A_73 = tpu.memref_slice %arg7[%dma_start3A_72] : memref<2048xf32, #tpu.memory_space<vmem>> -> memref<128xf32, #tpu.memory_space<vmem>>
    %dma_start3A_74 = arith.constant 768 : i32
    %dma_start3A_75 = tpu.memref_slice %arg6[%dma_start3A_74] : memref<2048xi32, #tpu.memory_space<vmem>> -> memref<128xi32, #tpu.memory_space<vmem>>
    %dma_start3A_76 = arith.constant 0 : i32
    %dma_start3A_77 = tpu.memref_slice %arg2[%dma_start3A_76] : memref<1048576xf32, #tpu.memory_space<hbm>> -> memref<1048576xf32, #tpu.memory_space<hbm>>
    tpu.enqueue_indirect_dma source(%dma_start3A_77 : memref<1048576xf32, #tpu.memory_space<hbm>>) target(%dma_start3A_73 : memref<128xf32, #tpu.memory_space<vmem>>) offsets(%dma_start3A_75 : memref<128xi32, #tpu.memory_space<vmem>>) semaphore(%arg12 : memref<!tpu.dma_semaphore, #tpu.memory_space<semaphore_mem>>)
    %dma_start3A_78 = arith.constant 896 : i32
    %dma_start3A_79 = tpu.memref_slice %arg7[%dma_start3A_78] : memref<2048xf32, #tpu.memory_space<vmem>> -> memref<128xf32, #tpu.memory_space<vmem>>
    %dma_start3A_80 = arith.constant 896 : i32
    %dma_start3A_81 = tpu.memref_slice %arg6[%dma_start3A_80] : memref<2048xi32, #tpu.memory_space<vmem>> -> memref<128xi32, #tpu.memory_space<vmem>>
    %dma_start3A_82 = arith.constant 0 : i32
    %dma_start3A_83 = tpu.memref_slice %arg2[%dma_start3A_82] : memref<1048576xf32, #tpu.memory_space<hbm>> -> memref<1048576xf32, #tpu.memory_space<hbm>>
    tpu.enqueue_indirect_dma source(%dma_start3A_83 : memref<1048576xf32, #tpu.memory_space<hbm>>) target(%dma_start3A_79 : memref<128xf32, #tpu.memory_space<vmem>>) offsets(%dma_start3A_81 : memref<128xi32, #tpu.memory_space<vmem>>) semaphore(%arg12 : memref<!tpu.dma_semaphore, #tpu.memory_space<semaphore_mem>>)
    %dma_start3A_84 = arith.constant 1024 : i32
    %dma_start3A_85 = tpu.memref_slice %arg7[%dma_start3A_84] : memref<2048xf32, #tpu.memory_space<vmem>> -> memref<128xf32, #tpu.memory_space<vmem>>
    %dma_start3A_86 = arith.constant 1024 : i32
    %dma_start3A_87 = tpu.memref_slice %arg6[%dma_start3A_86] : memref<2048xi32, #tpu.memory_space<vmem>> -> memref<128xi32, #tpu.memory_space<vmem>>
    %dma_start3A_88 = arith.constant 0 : i32
    %dma_start3A_89 = tpu.memref_slice %arg2[%dma_start3A_88] : memref<1048576xf32, #tpu.memory_space<hbm>> -> memref<1048576xf32, #tpu.memory_space<hbm>>
    tpu.enqueue_indirect_dma source(%dma_start3A_89 : memref<1048576xf32, #tpu.memory_space<hbm>>) target(%dma_start3A_85 : memref<128xf32, #tpu.memory_space<vmem>>) offsets(%dma_start3A_87 : memref<128xi32, #tpu.memory_space<vmem>>) semaphore(%arg12 : memref<!tpu.dma_semaphore, #tpu.memory_space<semaphore_mem>>)
    %dma_start3A_90 = arith.constant 1152 : i32
    %dma_start3A_91 = tpu.memref_slice %arg7[%dma_start3A_90] : memref<2048xf32, #tpu.memory_space<vmem>> -> memref<128xf32, #tpu.memory_space<vmem>>
    %dma_start3A_92 = arith.constant 1152 : i32
    %dma_start3A_93 = tpu.memref_slice %arg6[%dma_start3A_92] : memref<2048xi32, #tpu.memory_space<vmem>> -> memref<128xi32, #tpu.memory_space<vmem>>
    %dma_start3A_94 = arith.constant 0 : i32
    %dma_start3A_95 = tpu.memref_slice %arg2[%dma_start3A_94] : memref<1048576xf32, #tpu.memory_space<hbm>> -> memref<1048576xf32, #tpu.memory_space<hbm>>
    tpu.enqueue_indirect_dma source(%dma_start3A_95 : memref<1048576xf32, #tpu.memory_space<hbm>>) target(%dma_start3A_91 : memref<128xf32, #tpu.memory_space<vmem>>) offsets(%dma_start3A_93 : memref<128xi32, #tpu.memory_space<vmem>>) semaphore(%arg12 : memref<!tpu.dma_semaphore, #tpu.memory_space<semaphore_mem>>)
    %dma_start3A_96 = arith.constant 1280 : i32
    %dma_start3A_97 = tpu.memref_slice %arg7[%dma_start3A_96] : memref<2048xf32, #tpu.memory_space<vmem>> -> memref<128xf32, #tpu.memory_space<vmem>>
    %dma_start3A_98 = arith.constant 1280 : i32
    %dma_start3A_99 = tpu.memref_slice %arg6[%dma_start3A_98] : memref<2048xi32, #tpu.memory_space<vmem>> -> memref<128xi32, #tpu.memory_space<vmem>>
    %dma_start3A_100 = arith.constant 0 : i32
    %dma_start3A_101 = tpu.memref_slice %arg2[%dma_start3A_100] : memref<1048576xf32, #tpu.memory_space<hbm>> -> memref<1048576xf32, #tpu.memory_space<hbm>>
    tpu.enqueue_indirect_dma source(%dma_start3A_101 : memref<1048576xf32, #tpu.memory_space<hbm>>) target(%dma_start3A_97 : memref<128xf32, #tpu.memory_space<vmem>>) offsets(%dma_start3A_99 : memref<128xi32, #tpu.memory_space<vmem>>) semaphore(%arg12 : memref<!tpu.dma_semaphore, #tpu.memory_space<semaphore_mem>>)
    %dma_start3A_102 = arith.constant 1408 : i32
    %dma_start3A_103 = tpu.memref_slice %arg7[%dma_start3A_102] : memref<2048xf32, #tpu.memory_space<vmem>> -> memref<128xf32, #tpu.memory_space<vmem>>
    %dma_start3A_104 = arith.constant 1408 : i32
    %dma_start3A_105 = tpu.memref_slice %arg6[%dma_start3A_104] : memref<2048xi32, #tpu.memory_space<vmem>> -> memref<128xi32, #tpu.memory_space<vmem>>
    %dma_start3A_106 = arith.constant 0 : i32
    %dma_start3A_107 = tpu.memref_slice %arg2[%dma_start3A_106] : memref<1048576xf32, #tpu.memory_space<hbm>> -> memref<1048576xf32, #tpu.memory_space<hbm>>
    tpu.enqueue_indirect_dma source(%dma_start3A_107 : memref<1048576xf32, #tpu.memory_space<hbm>>) target(%dma_start3A_103 : memref<128xf32, #tpu.memory_space<vmem>>) offsets(%dma_start3A_105 : memref<128xi32, #tpu.memory_space<vmem>>) semaphore(%arg12 : memref<!tpu.dma_semaphore, #tpu.memory_space<semaphore_mem>>)
    %dma_start3A_108 = arith.constant 1536 : i32
    %dma_start3A_109 = tpu.memref_slice %arg7[%dma_start3A_108] : memref<2048xf32, #tpu.memory_space<vmem>> -> memref<128xf32, #tpu.memory_space<vmem>>
    %dma_start3A_110 = arith.constant 1536 : i32
    %dma_start3A_111 = tpu.memref_slice %arg6[%dma_start3A_110] : memref<2048xi32, #tpu.memory_space<vmem>> -> memref<128xi32, #tpu.memory_space<vmem>>
    %dma_start3A_112 = arith.constant 0 : i32
    %dma_start3A_113 = tpu.memref_slice %arg2[%dma_start3A_112] : memref<1048576xf32, #tpu.memory_space<hbm>> -> memref<1048576xf32, #tpu.memory_space<hbm>>
    tpu.enqueue_indirect_dma source(%dma_start3A_113 : memref<1048576xf32, #tpu.memory_space<hbm>>) target(%dma_start3A_109 : memref<128xf32, #tpu.memory_space<vmem>>) offsets(%dma_start3A_111 : memref<128xi32, #tpu.memory_space<vmem>>) semaphore(%arg12 : memref<!tpu.dma_semaphore, #tpu.memory_space<semaphore_mem>>)
    %dma_start3A_114 = arith.constant 1664 : i32
    %dma_start3A_115 = tpu.memref_slice %arg7[%dma_start3A_114] : memref<2048xf32, #tpu.memory_space<vmem>> -> memref<128xf32, #tpu.memory_space<vmem>>
    %dma_start3A_116 = arith.constant 1664 : i32
    %dma_start3A_117 = tpu.memref_slice %arg6[%dma_start3A_116] : memref<2048xi32, #tpu.memory_space<vmem>> -> memref<128xi32, #tpu.memory_space<vmem>>
    %dma_start3A_118 = arith.constant 0 : i32
    %dma_start3A_119 = tpu.memref_slice %arg2[%dma_start3A_118] : memref<1048576xf32, #tpu.memory_space<hbm>> -> memref<1048576xf32, #tpu.memory_space<hbm>>
    tpu.enqueue_indirect_dma source(%dma_start3A_119 : memref<1048576xf32, #tpu.memory_space<hbm>>) target(%dma_start3A_115 : memref<128xf32, #tpu.memory_space<vmem>>) offsets(%dma_start3A_117 : memref<128xi32, #tpu.memory_space<vmem>>) semaphore(%arg12 : memref<!tpu.dma_semaphore, #tpu.memory_space<semaphore_mem>>)
    %dma_start3A_120 = arith.constant 1792 : i32
    %dma_start3A_121 = tpu.memref_slice %arg7[%dma_start3A_120] : memref<2048xf32, #tpu.memory_space<vmem>> -> memref<128xf32, #tpu.memory_space<vmem>>
    %dma_start3A_122 = arith.constant 1792 : i32
    %dma_start3A_123 = tpu.memref_slice %arg6[%dma_start3A_122] : memref<2048xi32, #tpu.memory_space<vmem>> -> memref<128xi32, #tpu.memory_space<vmem>>
    %dma_start3A_124 = arith.constant 0 : i32
    %dma_start3A_125 = tpu.memref_slice %arg2[%dma_start3A_124] : memref<1048576xf32, #tpu.memory_space<hbm>> -> memref<1048576xf32, #tpu.memory_space<hbm>>
    tpu.enqueue_indirect_dma source(%dma_start3A_125 : memref<1048576xf32, #tpu.memory_space<hbm>>) target(%dma_start3A_121 : memref<128xf32, #tpu.memory_space<vmem>>) offsets(%dma_start3A_123 : memref<128xi32, #tpu.memory_space<vmem>>) semaphore(%arg12 : memref<!tpu.dma_semaphore, #tpu.memory_space<semaphore_mem>>)
    %dma_start3A_126 = arith.constant 1920 : i32
    %dma_start3A_127 = tpu.memref_slice %arg7[%dma_start3A_126] : memref<2048xf32, #tpu.memory_space<vmem>> -> memref<128xf32, #tpu.memory_space<vmem>>
    %dma_start3A_128 = arith.constant 1920 : i32
    %dma_start3A_129 = tpu.memref_slice %arg6[%dma_start3A_128] : memref<2048xi32, #tpu.memory_space<vmem>> -> memref<128xi32, #tpu.memory_space<vmem>>
    %dma_start3A_130 = arith.constant 0 : i32
    %dma_start3A_131 = tpu.memref_slice %arg2[%dma_start3A_130] : memref<1048576xf32, #tpu.memory_space<hbm>> -> memref<1048576xf32, #tpu.memory_space<hbm>>
    tpu.enqueue_indirect_dma source(%dma_start3A_131 : memref<1048576xf32, #tpu.memory_space<hbm>>) target(%dma_start3A_127 : memref<128xf32, #tpu.memory_space<vmem>>) offsets(%dma_start3A_129 : memref<128xi32, #tpu.memory_space<vmem>>) semaphore(%arg12 : memref<!tpu.dma_semaphore, #tpu.memory_space<semaphore_mem>>)
    %dma_wait3A = arith.constant 0 : i32
    %dma_wait3A_132 = tpu.memref_slice %arg7[%dma_wait3A] : memref<2048xf32, #tpu.memory_space<vmem>> -> memref<128xf32, #tpu.memory_space<vmem>>
    %dma_wait3A_133 = arith.constant 0 : i32
    %dma_wait3A_134 = tpu.memref_slice %arg6[%dma_wait3A_133] : memref<2048xi32, #tpu.memory_space<vmem>> -> memref<128xi32, #tpu.memory_space<vmem>>
    %dma_wait3A_135 = arith.constant 0 : i32
    %dma_wait3A_136 = tpu.memref_slice %arg2[%dma_wait3A_135] : memref<1048576xf32, #tpu.memory_space<hbm>> -> memref<1048576xf32, #tpu.memory_space<hbm>>
    tpu.wait_indirect_dma semaphore(%arg12 : memref<!tpu.dma_semaphore, #tpu.memory_space<semaphore_mem>>) src(%dma_wait3A_136 : memref<1048576xf32, #tpu.memory_space<hbm>>) dst(%dma_wait3A_132 : memref<128xf32, #tpu.memory_space<vmem>>)
    %dma_wait3A_137 = arith.constant 128 : i32
    %dma_wait3A_138 = tpu.memref_slice %arg7[%dma_wait3A_137] : memref<2048xf32, #tpu.memory_space<vmem>> -> memref<128xf32, #tpu.memory_space<vmem>>
    %dma_wait3A_139 = arith.constant 128 : i32
    %dma_wait3A_140 = tpu.memref_slice %arg6[%dma_wait3A_139] : memref<2048xi32, #tpu.memory_space<vmem>> -> memref<128xi32, #tpu.memory_space<vmem>>
    %dma_wait3A_141 = arith.constant 0 : i32
    %dma_wait3A_142 = tpu.memref_slice %arg2[%dma_wait3A_141] : memref<1048576xf32, #tpu.memory_space<hbm>> -> memref<1048576xf32, #tpu.memory_space<hbm>>
    tpu.wait_indirect_dma semaphore(%arg12 : memref<!tpu.dma_semaphore, #tpu.memory_space<semaphore_mem>>) src(%dma_wait3A_142 : memref<1048576xf32, #tpu.memory_space<hbm>>) dst(%dma_wait3A_138 : memref<128xf32, #tpu.memory_space<vmem>>)
    %dma_wait3A_143 = arith.constant 256 : i32
    %dma_wait3A_144 = tpu.memref_slice %arg7[%dma_wait3A_143] : memref<2048xf32, #tpu.memory_space<vmem>> -> memref<128xf32, #tpu.memory_space<vmem>>
    %dma_wait3A_145 = arith.constant 256 : i32
    %dma_wait3A_146 = tpu.memref_slice %arg6[%dma_wait3A_145] : memref<2048xi32, #tpu.memory_space<vmem>> -> memref<128xi32, #tpu.memory_space<vmem>>
    %dma_wait3A_147 = arith.constant 0 : i32
    %dma_wait3A_148 = tpu.memref_slice %arg2[%dma_wait3A_147] : memref<1048576xf32, #tpu.memory_space<hbm>> -> memref<1048576xf32, #tpu.memory_space<hbm>>
    tpu.wait_indirect_dma semaphore(%arg12 : memref<!tpu.dma_semaphore, #tpu.memory_space<semaphore_mem>>) src(%dma_wait3A_148 : memref<1048576xf32, #tpu.memory_space<hbm>>) dst(%dma_wait3A_144 : memref<128xf32, #tpu.memory_space<vmem>>)
    %dma_wait3A_149 = arith.constant 384 : i32
    %dma_wait3A_150 = tpu.memref_slice %arg7[%dma_wait3A_149] : memref<2048xf32, #tpu.memory_space<vmem>> -> memref<128xf32, #tpu.memory_space<vmem>>
    %dma_wait3A_151 = arith.constant 384 : i32
    %dma_wait3A_152 = tpu.memref_slice %arg6[%dma_wait3A_151] : memref<2048xi32, #tpu.memory_space<vmem>> -> memref<128xi32, #tpu.memory_space<vmem>>
    %dma_wait3A_153 = arith.constant 0 : i32
    %dma_wait3A_154 = tpu.memref_slice %arg2[%dma_wait3A_153] : memref<1048576xf32, #tpu.memory_space<hbm>> -> memref<1048576xf32, #tpu.memory_space<hbm>>
    tpu.wait_indirect_dma semaphore(%arg12 : memref<!tpu.dma_semaphore, #tpu.memory_space<semaphore_mem>>) src(%dma_wait3A_154 : memref<1048576xf32, #tpu.memory_space<hbm>>) dst(%dma_wait3A_150 : memref<128xf32, #tpu.memory_space<vmem>>)
    %dma_wait3A_155 = arith.constant 512 : i32
    %dma_wait3A_156 = tpu.memref_slice %arg7[%dma_wait3A_155] : memref<2048xf32, #tpu.memory_space<vmem>> -> memref<128xf32, #tpu.memory_space<vmem>>
    %dma_wait3A_157 = arith.constant 512 : i32
    %dma_wait3A_158 = tpu.memref_slice %arg6[%dma_wait3A_157] : memref<2048xi32, #tpu.memory_space<vmem>> -> memref<128xi32, #tpu.memory_space<vmem>>
    %dma_wait3A_159 = arith.constant 0 : i32
    %dma_wait3A_160 = tpu.memref_slice %arg2[%dma_wait3A_159] : memref<1048576xf32, #tpu.memory_space<hbm>> -> memref<1048576xf32, #tpu.memory_space<hbm>>
    tpu.wait_indirect_dma semaphore(%arg12 : memref<!tpu.dma_semaphore, #tpu.memory_space<semaphore_mem>>) src(%dma_wait3A_160 : memref<1048576xf32, #tpu.memory_space<hbm>>) dst(%dma_wait3A_156 : memref<128xf32, #tpu.memory_space<vmem>>)
    %dma_wait3A_161 = arith.constant 640 : i32
    %dma_wait3A_162 = tpu.memref_slice %arg7[%dma_wait3A_161] : memref<2048xf32, #tpu.memory_space<vmem>> -> memref<128xf32, #tpu.memory_space<vmem>>
    %dma_wait3A_163 = arith.constant 640 : i32
    %dma_wait3A_164 = tpu.memref_slice %arg6[%dma_wait3A_163] : memref<2048xi32, #tpu.memory_space<vmem>> -> memref<128xi32, #tpu.memory_space<vmem>>
    %dma_wait3A_165 = arith.constant 0 : i32
    %dma_wait3A_166 = tpu.memref_slice %arg2[%dma_wait3A_165] : memref<1048576xf32, #tpu.memory_space<hbm>> -> memref<1048576xf32, #tpu.memory_space<hbm>>
    tpu.wait_indirect_dma semaphore(%arg12 : memref<!tpu.dma_semaphore, #tpu.memory_space<semaphore_mem>>) src(%dma_wait3A_166 : memref<1048576xf32, #tpu.memory_space<hbm>>) dst(%dma_wait3A_162 : memref<128xf32, #tpu.memory_space<vmem>>)
    %dma_wait3A_167 = arith.constant 768 : i32
    %dma_wait3A_168 = tpu.memref_slice %arg7[%dma_wait3A_167] : memref<2048xf32, #tpu.memory_space<vmem>> -> memref<128xf32, #tpu.memory_space<vmem>>
    %dma_wait3A_169 = arith.constant 768 : i32
    %dma_wait3A_170 = tpu.memref_slice %arg6[%dma_wait3A_169] : memref<2048xi32, #tpu.memory_space<vmem>> -> memref<128xi32, #tpu.memory_space<vmem>>
    %dma_wait3A_171 = arith.constant 0 : i32
    %dma_wait3A_172 = tpu.memref_slice %arg2[%dma_wait3A_171] : memref<1048576xf32, #tpu.memory_space<hbm>> -> memref<1048576xf32, #tpu.memory_space<hbm>>
    tpu.wait_indirect_dma semaphore(%arg12 : memref<!tpu.dma_semaphore, #tpu.memory_space<semaphore_mem>>) src(%dma_wait3A_172 : memref<1048576xf32, #tpu.memory_space<hbm>>) dst(%dma_wait3A_168 : memref<128xf32, #tpu.memory_space<vmem>>)
    %dma_wait3A_173 = arith.constant 896 : i32
    %dma_wait3A_174 = tpu.memref_slice %arg7[%dma_wait3A_173] : memref<2048xf32, #tpu.memory_space<vmem>> -> memref<128xf32, #tpu.memory_space<vmem>>
    %dma_wait3A_175 = arith.constant 896 : i32
    %dma_wait3A_176 = tpu.memref_slice %arg6[%dma_wait3A_175] : memref<2048xi32, #tpu.memory_space<vmem>> -> memref<128xi32, #tpu.memory_space<vmem>>
    %dma_wait3A_177 = arith.constant 0 : i32
    %dma_wait3A_178 = tpu.memref_slice %arg2[%dma_wait3A_177] : memref<1048576xf32, #tpu.memory_space<hbm>> -> memref<1048576xf32, #tpu.memory_space<hbm>>
    tpu.wait_indirect_dma semaphore(%arg12 : memref<!tpu.dma_semaphore, #tpu.memory_space<semaphore_mem>>) src(%dma_wait3A_178 : memref<1048576xf32, #tpu.memory_space<hbm>>) dst(%dma_wait3A_174 : memref<128xf32, #tpu.memory_space<vmem>>)
    %dma_wait3A_179 = arith.constant 1024 : i32
    %dma_wait3A_180 = tpu.memref_slice %arg7[%dma_wait3A_179] : memref<2048xf32, #tpu.memory_space<vmem>> -> memref<128xf32, #tpu.memory_space<vmem>>
    %dma_wait3A_181 = arith.constant 1024 : i32
    %dma_wait3A_182 = tpu.memref_slice %arg6[%dma_wait3A_181] : memref<2048xi32, #tpu.memory_space<vmem>> -> memref<128xi32, #tpu.memory_space<vmem>>
    %dma_wait3A_183 = arith.constant 0 : i32
    %dma_wait3A_184 = tpu.memref_slice %arg2[%dma_wait3A_183] : memref<1048576xf32, #tpu.memory_space<hbm>> -> memref<1048576xf32, #tpu.memory_space<hbm>>
    tpu.wait_indirect_dma semaphore(%arg12 : memref<!tpu.dma_semaphore, #tpu.memory_space<semaphore_mem>>) src(%dma_wait3A_184 : memref<1048576xf32, #tpu.memory_space<hbm>>) dst(%dma_wait3A_180 : memref<128xf32, #tpu.memory_space<vmem>>)
    %dma_wait3A_185 = arith.constant 1152 : i32
    %dma_wait3A_186 = tpu.memref_slice %arg7[%dma_wait3A_185] : memref<2048xf32, #tpu.memory_space<vmem>> -> memref<128xf32, #tpu.memory_space<vmem>>
    %dma_wait3A_187 = arith.constant 1152 : i32
    %dma_wait3A_188 = tpu.memref_slice %arg6[%dma_wait3A_187] : memref<2048xi32, #tpu.memory_space<vmem>> -> memref<128xi32, #tpu.memory_space<vmem>>
    %dma_wait3A_189 = arith.constant 0 : i32
    %dma_wait3A_190 = tpu.memref_slice %arg2[%dma_wait3A_189] : memref<1048576xf32, #tpu.memory_space<hbm>> -> memref<1048576xf32, #tpu.memory_space<hbm>>
    tpu.wait_indirect_dma semaphore(%arg12 : memref<!tpu.dma_semaphore, #tpu.memory_space<semaphore_mem>>) src(%dma_wait3A_190 : memref<1048576xf32, #tpu.memory_space<hbm>>) dst(%dma_wait3A_186 : memref<128xf32, #tpu.memory_space<vmem>>)
    %dma_wait3A_191 = arith.constant 1280 : i32
    %dma_wait3A_192 = tpu.memref_slice %arg7[%dma_wait3A_191] : memref<2048xf32, #tpu.memory_space<vmem>> -> memref<128xf32, #tpu.memory_space<vmem>>
    %dma_wait3A_193 = arith.constant 1280 : i32
    %dma_wait3A_194 = tpu.memref_slice %arg6[%dma_wait3A_193] : memref<2048xi32, #tpu.memory_space<vmem>> -> memref<128xi32, #tpu.memory_space<vmem>>
    %dma_wait3A_195 = arith.constant 0 : i32
    %dma_wait3A_196 = tpu.memref_slice %arg2[%dma_wait3A_195] : memref<1048576xf32, #tpu.memory_space<hbm>> -> memref<1048576xf32, #tpu.memory_space<hbm>>
    tpu.wait_indirect_dma semaphore(%arg12 : memref<!tpu.dma_semaphore, #tpu.memory_space<semaphore_mem>>) src(%dma_wait3A_196 : memref<1048576xf32, #tpu.memory_space<hbm>>) dst(%dma_wait3A_192 : memref<128xf32, #tpu.memory_space<vmem>>)
    %dma_wait3A_197 = arith.constant 1408 : i32
    %dma_wait3A_198 = tpu.memref_slice %arg7[%dma_wait3A_197] : memref<2048xf32, #tpu.memory_space<vmem>> -> memref<128xf32, #tpu.memory_space<vmem>>
    %dma_wait3A_199 = arith.constant 1408 : i32
    %dma_wait3A_200 = tpu.memref_slice %arg6[%dma_wait3A_199] : memref<2048xi32, #tpu.memory_space<vmem>> -> memref<128xi32, #tpu.memory_space<vmem>>
    %dma_wait3A_201 = arith.constant 0 : i32
    %dma_wait3A_202 = tpu.memref_slice %arg2[%dma_wait3A_201] : memref<1048576xf32, #tpu.memory_space<hbm>> -> memref<1048576xf32, #tpu.memory_space<hbm>>
    tpu.wait_indirect_dma semaphore(%arg12 : memref<!tpu.dma_semaphore, #tpu.memory_space<semaphore_mem>>) src(%dma_wait3A_202 : memref<1048576xf32, #tpu.memory_space<hbm>>) dst(%dma_wait3A_198 : memref<128xf32, #tpu.memory_space<vmem>>)
    %dma_wait3A_203 = arith.constant 1536 : i32
    %dma_wait3A_204 = tpu.memref_slice %arg7[%dma_wait3A_203] : memref<2048xf32, #tpu.memory_space<vmem>> -> memref<128xf32, #tpu.memory_space<vmem>>
    %dma_wait3A_205 = arith.constant 1536 : i32
    %dma_wait3A_206 = tpu.memref_slice %arg6[%dma_wait3A_205] : memref<2048xi32, #tpu.memory_space<vmem>> -> memref<128xi32, #tpu.memory_space<vmem>>
    %dma_wait3A_207 = arith.constant 0 : i32
    %dma_wait3A_208 = tpu.memref_slice %arg2[%dma_wait3A_207] : memref<1048576xf32, #tpu.memory_space<hbm>> -> memref<1048576xf32, #tpu.memory_space<hbm>>
    tpu.wait_indirect_dma semaphore(%arg12 : memref<!tpu.dma_semaphore, #tpu.memory_space<semaphore_mem>>) src(%dma_wait3A_208 : memref<1048576xf32, #tpu.memory_space<hbm>>) dst(%dma_wait3A_204 : memref<128xf32, #tpu.memory_space<vmem>>)
    %dma_wait3A_209 = arith.constant 1664 : i32
    %dma_wait3A_210 = tpu.memref_slice %arg7[%dma_wait3A_209] : memref<2048xf32, #tpu.memory_space<vmem>> -> memref<128xf32, #tpu.memory_space<vmem>>
    %dma_wait3A_211 = arith.constant 1664 : i32
    %dma_wait3A_212 = tpu.memref_slice %arg6[%dma_wait3A_211] : memref<2048xi32, #tpu.memory_space<vmem>> -> memref<128xi32, #tpu.memory_space<vmem>>
    %dma_wait3A_213 = arith.constant 0 : i32
    %dma_wait3A_214 = tpu.memref_slice %arg2[%dma_wait3A_213] : memref<1048576xf32, #tpu.memory_space<hbm>> -> memref<1048576xf32, #tpu.memory_space<hbm>>
    tpu.wait_indirect_dma semaphore(%arg12 : memref<!tpu.dma_semaphore, #tpu.memory_space<semaphore_mem>>) src(%dma_wait3A_214 : memref<1048576xf32, #tpu.memory_space<hbm>>) dst(%dma_wait3A_210 : memref<128xf32, #tpu.memory_space<vmem>>)
    %dma_wait3A_215 = arith.constant 1792 : i32
    %dma_wait3A_216 = tpu.memref_slice %arg7[%dma_wait3A_215] : memref<2048xf32, #tpu.memory_space<vmem>> -> memref<128xf32, #tpu.memory_space<vmem>>
    %dma_wait3A_217 = arith.constant 1792 : i32
    %dma_wait3A_218 = tpu.memref_slice %arg6[%dma_wait3A_217] : memref<2048xi32, #tpu.memory_space<vmem>> -> memref<128xi32, #tpu.memory_space<vmem>>
    %dma_wait3A_219 = arith.constant 0 : i32
    %dma_wait3A_220 = tpu.memref_slice %arg2[%dma_wait3A_219] : memref<1048576xf32, #tpu.memory_space<hbm>> -> memref<1048576xf32, #tpu.memory_space<hbm>>
    tpu.wait_indirect_dma semaphore(%arg12 : memref<!tpu.dma_semaphore, #tpu.memory_space<semaphore_mem>>) src(%dma_wait3A_220 : memref<1048576xf32, #tpu.memory_space<hbm>>) dst(%dma_wait3A_216 : memref<128xf32, #tpu.memory_space<vmem>>)
    %dma_wait3A_221 = arith.constant 1920 : i32
    %dma_wait3A_222 = tpu.memref_slice %arg7[%dma_wait3A_221] : memref<2048xf32, #tpu.memory_space<vmem>> -> memref<128xf32, #tpu.memory_space<vmem>>
    %dma_wait3A_223 = arith.constant 1920 : i32
    %dma_wait3A_224 = tpu.memref_slice %arg6[%dma_wait3A_223] : memref<2048xi32, #tpu.memory_space<vmem>> -> memref<128xi32, #tpu.memory_space<vmem>>
    %dma_wait3A_225 = arith.constant 0 : i32
    %dma_wait3A_226 = tpu.memref_slice %arg2[%dma_wait3A_225] : memref<1048576xf32, #tpu.memory_space<hbm>> -> memref<1048576xf32, #tpu.memory_space<hbm>>
    tpu.wait_indirect_dma semaphore(%arg12 : memref<!tpu.dma_semaphore, #tpu.memory_space<semaphore_mem>>) src(%dma_wait3A_226 : memref<1048576xf32, #tpu.memory_space<hbm>>) dst(%dma_wait3A_222 : memref<128xf32, #tpu.memory_space<vmem>>)
    %get3A = arith.constant 0 : index
    %get3A_227 = tpu.vector_load %arg8[%get3A] {strides = array<i32>} : memref<16xf32, #tpu.memory_space<vmem>>, vector<16xf32>,
    %get3A_228 = vector.shape_cast %get3A_227 : vector<16xf32> to vector<16xf32>
    %broadcast_in_dim3A = arith.constant 0 : i32
    %broadcast_in_dim3A_229 = vector.broadcast %broadcast_in_dim3A : i32 to vector<16x1xi32>
    %gather3A = vector.shape_cast %broadcast_in_dim3A_229 : vector<16x1xi32> to vector<16xi32>
    %gather3A_230 = tpu.dynamic_gather %get3A_228[%gather3A] in [0] : vector<16xf32>, vector<16xi32> -> vector<16xf32>
    %broadcast_in_dim3A_231 = arith.constant 1 : i32
    %broadcast_in_dim3A_232 = vector.broadcast %broadcast_in_dim3A_231 : i32 to vector<16x1xi32>
    %gather3A_233 = vector.shape_cast %broadcast_in_dim3A_232 : vector<16x1xi32> to vector<16xi32>
    %gather3A_234 = tpu.dynamic_gather %get3A_228[%gather3A_233] in [0] : vector<16xf32>, vector<16xi32> -> vector<16xf32>
    %broadcast_in_dim3A_235 = arith.constant 2 : i32
    %broadcast_in_dim3A_236 = vector.broadcast %broadcast_in_dim3A_235 : i32 to vector<16x1xi32>
    %gather3A_237 = vector.shape_cast %broadcast_in_dim3A_236 : vector<16x1xi32> to vector<16xi32>
    %gather3A_238 = tpu.dynamic_gather %get3A_228[%gather3A_237] in [0] : vector<16xf32>, vector<16xi32> -> vector<16xf32>
    %broadcast_in_dim3A_239 = arith.constant 3 : i32
    %broadcast_in_dim3A_240 = vector.broadcast %broadcast_in_dim3A_239 : i32 to vector<16x1xi32>
    %gather3A_241 = vector.shape_cast %broadcast_in_dim3A_240 : vector<16x1xi32> to vector<16xi32>
    %gather3A_242 = tpu.dynamic_gather %get3A_228[%gather3A_241] in [0] : vector<16xf32>, vector<16xi32> -> vector<16xf32>
    %broadcast_in_dim3A_243 = arith.constant 4 : i32
    %broadcast_in_dim3A_244 = vector.broadcast %broadcast_in_dim3A_243 : i32 to vector<16x1xi32>
    %gather3A_245 = vector.shape_cast %broadcast_in_dim3A_244 : vector<16x1xi32> to vector<16xi32>
    %gather3A_246 = tpu.dynamic_gather %get3A_228[%gather3A_245] in [0] : vector<16xf32>, vector<16xi32> -> vector<16xf32>
    %broadcast_in_dim3A_247 = arith.constant 5 : i32
    %broadcast_in_dim3A_248 = vector.broadcast %broadcast_in_dim3A_247 : i32 to vector<16x1xi32>
    %gather3A_249 = vector.shape_cast %broadcast_in_dim3A_248 : vector<16x1xi32> to vector<16xi32>
    %gather3A_250 = tpu.dynamic_gather %get3A_228[%gather3A_249] in [0] : vector<16xf32>, vector<16xi32> -> vector<16xf32>
    %broadcast_in_dim3A_251 = arith.constant 6 : i32
    %broadcast_in_dim3A_252 = vector.broadcast %broadcast_in_dim3A_251 : i32 to vector<16x1xi32>
    %gather3A_253 = vector.shape_cast %broadcast_in_dim3A_252 : vector<16x1xi32> to vector<16xi32>
    %gather3A_254 = tpu.dynamic_gather %get3A_228[%gather3A_253] in [0] : vector<16xf32>, vector<16xi32> -> vector<16xf32>
    %broadcast_in_dim3A_255 = arith.constant 7 : i32
    %broadcast_in_dim3A_256 = vector.broadcast %broadcast_in_dim3A_255 : i32 to vector<16x1xi32>
    %gather3A_257 = vector.shape_cast %broadcast_in_dim3A_256 : vector<16x1xi32> to vector<16xi32>
    %gather3A_258 = tpu.dynamic_gather %get3A_228[%gather3A_257] in [0] : vector<16xf32>, vector<16xi32> -> vector<16xf32>
    %broadcast_in_dim3A_259 = arith.constant 8 : i32
    %broadcast_in_dim3A_260 = vector.broadcast %broadcast_in_dim3A_259 : i32 to vector<16x1xi32>
    %gather3A_261 = vector.shape_cast %broadcast_in_dim3A_260 : vector<16x1xi32> to vector<16xi32>
    %gather3A_262 = tpu.dynamic_gather %get3A_228[%gather3A_261] in [0] : vector<16xf32>, vector<16xi32> -> vector<16xf32>
    %broadcast_in_dim3A_263 = arith.constant 9 : i32
    %broadcast_in_dim3A_264 = vector.broadcast %broadcast_in_dim3A_263 : i32 to vector<16x1xi32>
    %gather3A_265 = vector.shape_cast %broadcast_in_dim3A_264 : vector<16x1xi32> to vector<16xi32>
    %gather3A_266 = tpu.dynamic_gather %get3A_228[%gather3A_265] in [0] : vector<16xf32>, vector<16xi32> -> vector<16xf32>
    %broadcast_in_dim3A_267 = arith.constant 10 : i32
    %broadcast_in_dim3A_268 = vector.broadcast %broadcast_in_dim3A_267 : i32 to vector<16x1xi32>
    %gather3A_269 = vector.shape_cast %broadcast_in_dim3A_268 : vector<16x1xi32> to vector<16xi32>
    %gather3A_270 = tpu.dynamic_gather %get3A_228[%gather3A_269] in [0] : vector<16xf32>, vector<16xi32> -> vector<16xf32>
    %broadcast_in_dim3A_271 = arith.constant 11 : i32
    %broadcast_in_dim3A_272 = vector.broadcast %broadcast_in_dim3A_271 : i32 to vector<16x1xi32>
    %gather3A_273 = vector.shape_cast %broadcast_in_dim3A_272 : vector<16x1xi32> to vector<16xi32>
    %gather3A_274 = tpu.dynamic_gather %get3A_228[%gather3A_273] in [0] : vector<16xf32>, vector<16xi32> -> vector<16xf32>
    %scan3A = arith.constant 0 : i32
    %scan3A_275 = arith.constant 0 : i32
    %scan3A_276 = arith.constant 32 : i32
    %scan3A_277 = arith.addi %scan3A_275, %scan3A_276 : i32
    %scan3A_278 = arith.constant 1 : i32
    %scan3A_279 = scf.for %scan3A_290 = %scan3A_275 to %scan3A_277 step %scan3A_278 iter_args(%scan3A_291 = %scan3A) -> (i32)  : i32 {
      %mul3A_292 = arith.constant 4 : i32
      %mul3A_293 = arith.muli %scan3A_290, %mul3A_292 : i32
      %add3A_294 = arith.constant 0 : i32
      %add3A_295 = arith.addi %mul3A_293, %add3A_294 : i32
      %mul3A_296 = arith.constant 16 : i32
      %mul3A_297 = arith.muli %add3A_295, %mul3A_296 : i32
      %get3A_298 = arith.index_cast %mul3A_297 : i32 to index
      %get3A_299 = tpu.vector_load %arg6[%get3A_298] {strides = array<i32>} : memref<2048xi32, #tpu.memory_space<vmem>>, vector<16xi32>,
      %get3A_300 = vector.shape_cast %get3A_299 : vector<16xi32> to vector<16xi32>
      %get3A_301 = arith.index_cast %mul3A_297 : i32 to index
      %get3A_302 = tpu.vector_load %arg7[%get3A_301] {strides = array<i32>} : memref<2048xf32, #tpu.memory_space<vmem>>, vector<16xf32>,
      %get3A_303 = vector.shape_cast %get3A_302 : vector<16xf32> to vector<16xf32>
      %and3A_304 = arith.constant 262143 : i32
      %and3A_305 = vector.broadcast %and3A_304 : i32 to vector<16xi32>
      %and3A_306 = arith.andi %get3A_300, %and3A_305 : vector<16xi32>
      %and3A_307 = arith.constant 511 : i32
      %and3A_308 = vector.broadcast %and3A_307 : i32 to vector<16xi32>
      %and3A_309 = arith.andi %and3A_306, %and3A_308 : vector<16xi32>
      %convert_element_type3A = arith.sitofp %and3A_309 : vector<16xi32> to vector<16xf32>
      %shift_right_arithmetic3A = arith.constant 9 : i32
      %shift_right_arithmetic3A_310 = vector.broadcast %shift_right_arithmetic3A : i32 to vector<16xi32>
      %shift_right_arithmetic3A_311 = arith.shrsi %and3A_306, %shift_right_arithmetic3A_310 : vector<16xi32>
      %convert_element_type3A_312 = arith.sitofp %shift_right_arithmetic3A_311 : vector<16xi32> to vector<16xf32>
      %mul3A_313 = arith.mulf %gather3A_230, %convert_element_type3A : vector<16xf32>
      %mul3A_314 = arith.mulf %gather3A_234, %convert_element_type3A_312 : vector<16xf32>
      %add3A_315 = arith.addf %mul3A_313, %mul3A_314 : vector<16xf32>
      %add3A_316 = arith.addf %add3A_315, %gather3A_238 : vector<16xf32>
      %mul3A_317 = arith.mulf %get3A_303, %add3A_316 : vector<16xf32>
      %add3A_318 = arith.addf %mul3A_317, %gather3A_242 : vector<16xf32>
      %swap3A = arith.index_cast %mul3A_297 : i32 to index
      %swap3A_319 = tpu.vector_load %arg9[%swap3A] {strides = array<i32>} : memref<2048xf32, #tpu.memory_space<vmem>>, vector<16xf32>,
      %swap3A_320 = vector.shape_cast %swap3A_319 : vector<16xf32> to vector<16xf32>
      %swap3A_321 = vector.shape_cast %add3A_318 : vector<16xf32> to vector<16xf32>
      tpu.vector_store %arg9[%swap3A], %swap3A_321 {strides = array<i32>} : memref<2048xf32, #tpu.memory_space<vmem>>, vector<16xf32>,
      %mul3A_322 = arith.mulf %gather3A_246, %convert_element_type3A : vector<16xf32>
      %mul3A_323 = arith.mulf %gather3A_250, %convert_element_type3A_312 : vector<16xf32>
      %add3A_324 = arith.addf %mul3A_322, %mul3A_323 : vector<16xf32>
      %add3A_325 = arith.addf %add3A_324, %gather3A_254 : vector<16xf32>
      %mul3A_326 = arith.mulf %get3A_303, %add3A_325 : vector<16xf32>
      %add3A_327 = arith.addf %mul3A_326, %gather3A_258 : vector<16xf32>
      %swap3A_328 = arith.index_cast %mul3A_297 : i32 to index
      %swap3A_329 = tpu.vector_load %arg10[%swap3A_328] {strides = array<i32>} : memref<2048xf32, #tpu.memory_space<vmem>>, vector<16xf32>,
      %swap3A_330 = vector.shape_cast %swap3A_329 : vector<16xf32> to vector<16xf32>
      %swap3A_331 = vector.shape_cast %add3A_327 : vector<16xf32> to vector<16xf32>
      tpu.vector_store %arg10[%swap3A_328], %swap3A_331 {strides = array<i32>} : memref<2048xf32, #tpu.memory_space<vmem>>, vector<16xf32>,
      %mul3A_332 = arith.mulf %gather3A_262, %convert_element_type3A : vector<16xf32>
      %mul3A_333 = arith.mulf %gather3A_266, %convert_element_type3A_312 : vector<16xf32>
      %add3A_334 = arith.addf %mul3A_332, %mul3A_333 : vector<16xf32>
      %add3A_335 = arith.addf %add3A_334, %gather3A_270 : vector<16xf32>
      %mul3A_336 = arith.mulf %get3A_303, %add3A_335 : vector<16xf32>
      %add3A_337 = arith.addf %mul3A_336, %gather3A_274 : vector<16xf32>
      %swap3A_338 = arith.index_cast %mul3A_297 : i32 to index
      %swap3A_339 = tpu.vector_load %arg11[%swap3A_338] {strides = array<i32>} : memref<2048xf32, #tpu.memory_space<vmem>>, vector<16xf32>,
      %swap3A_340 = vector.shape_cast %swap3A_339 : vector<16xf32> to vector<16xf32>
      %swap3A_341 = vector.shape_cast %add3A_337 : vector<16xf32> to vector<16xf32>
      tpu.vector_store %arg11[%swap3A_338], %swap3A_341 {strides = array<i32>} : memref<2048xf32, #tpu.memory_space<vmem>>, vector<16xf32>,
      %mul3A_342 = arith.constant 4 : i32
      %mul3A_343 = arith.muli %scan3A_290, %mul3A_342 : i32
      %add3A_344 = arith.constant 1 : i32
      %add3A_345 = arith.addi %mul3A_343, %add3A_344 : i32
      %mul3A_346 = arith.constant 16 : i32
      %mul3A_347 = arith.muli %add3A_345, %mul3A_346 : i32
      %get3A_348 = arith.index_cast %mul3A_347 : i32 to index
      %get3A_349 = tpu.vector_load %arg6[%get3A_348] {strides = array<i32>} : memref<2048xi32, #tpu.memory_space<vmem>>, vector<16xi32>,
      %get3A_350 = vector.shape_cast %get3A_349 : vector<16xi32> to vector<16xi32>
      %get3A_351 = arith.index_cast %mul3A_347 : i32 to index
      %get3A_352 = tpu.vector_load %arg7[%get3A_351] {strides = array<i32>} : memref<2048xf32, #tpu.memory_space<vmem>>, vector<16xf32>,
      %get3A_353 = vector.shape_cast %get3A_352 : vector<16xf32> to vector<16xf32>
      %and3A_354 = arith.constant 262143 : i32
      %and3A_355 = vector.broadcast %and3A_354 : i32 to vector<16xi32>
      %and3A_356 = arith.andi %get3A_350, %and3A_355 : vector<16xi32>
      %and3A_357 = arith.constant 511 : i32
      %and3A_358 = vector.broadcast %and3A_357 : i32 to vector<16xi32>
      %and3A_359 = arith.andi %and3A_356, %and3A_358 : vector<16xi32>
      %convert_element_type3A_360 = arith.sitofp %and3A_359 : vector<16xi32> to vector<16xf32>
      %shift_right_arithmetic3A_361 = arith.constant 9 : i32
      %shift_right_arithmetic3A_362 = vector.broadcast %shift_right_arithmetic3A_361 : i32 to vector<16xi32>
      %shift_right_arithmetic3A_363 = arith.shrsi %and3A_356, %shift_right_arithmetic3A_362 : vector<16xi32>
      %convert_element_type3A_364 = arith.sitofp %shift_right_arithmetic3A_363 : vector<16xi32> to vector<16xf32>
      %mul3A_365 = arith.mulf %gather3A_230, %convert_element_type3A_360 : vector<16xf32>
      %mul3A_366 = arith.mulf %gather3A_234, %convert_element_type3A_364 : vector<16xf32>
      %add3A_367 = arith.addf %mul3A_365, %mul3A_366 : vector<16xf32>
      %add3A_368 = arith.addf %add3A_367, %gather3A_238 : vector<16xf32>
      %mul3A_369 = arith.mulf %get3A_353, %add3A_368 : vector<16xf32>
      %add3A_370 = arith.addf %mul3A_369, %gather3A_242 : vector<16xf32>
      %swap3A_371 = arith.index_cast %mul3A_347 : i32 to index
      %swap3A_372 = tpu.vector_load %arg9[%swap3A_371] {strides = array<i32>} : memref<2048xf32, #tpu.memory_space<vmem>>, vector<16xf32>,
      %swap3A_373 = vector.shape_cast %swap3A_372 : vector<16xf32> to vector<16xf32>
      %swap3A_374 = vector.shape_cast %add3A_370 : vector<16xf32> to vector<16xf32>
      tpu.vector_store %arg9[%swap3A_371], %swap3A_374 {strides = array<i32>} : memref<2048xf32, #tpu.memory_space<vmem>>, vector<16xf32>,
      %mul3A_375 = arith.mulf %gather3A_246, %convert_element_type3A_360 : vector<16xf32>
      %mul3A_376 = arith.mulf %gather3A_250, %convert_element_type3A_364 : vector<16xf32>
      %add3A_377 = arith.addf %mul3A_375, %mul3A_376 : vector<16xf32>
      %add3A_378 = arith.addf %add3A_377, %gather3A_254 : vector<16xf32>
      %mul3A_379 = arith.mulf %get3A_353, %add3A_378 : vector<16xf32>
      %add3A_380 = arith.addf %mul3A_379, %gather3A_258 : vector<16xf32>
      %swap3A_381 = arith.index_cast %mul3A_347 : i32 to index
      %swap3A_382 = tpu.vector_load %arg10[%swap3A_381] {strides = array<i32>} : memref<2048xf32, #tpu.memory_space<vmem>>, vector<16xf32>,
      %swap3A_383 = vector.shape_cast %swap3A_382 : vector<16xf32> to vector<16xf32>
      %swap3A_384 = vector.shape_cast %add3A_380 : vector<16xf32> to vector<16xf32>
      tpu.vector_store %arg10[%swap3A_381], %swap3A_384 {strides = array<i32>} : memref<2048xf32, #tpu.memory_space<vmem>>, vector<16xf32>,
      %mul3A_385 = arith.mulf %gather3A_262, %convert_element_type3A_360 : vector<16xf32>
      %mul3A_386 = arith.mulf %gather3A_266, %convert_element_type3A_364 : vector<16xf32>
      %add3A_387 = arith.addf %mul3A_385, %mul3A_386 : vector<16xf32>
      %add3A_388 = arith.addf %add3A_387, %gather3A_270 : vector<16xf32>
      %mul3A_389 = arith.mulf %get3A_353, %add3A_388 : vector<16xf32>
      %add3A_390 = arith.addf %mul3A_389, %gather3A_274 : vector<16xf32>
      %swap3A_391 = arith.index_cast %mul3A_347 : i32 to index
      %swap3A_392 = tpu.vector_load %arg11[%swap3A_391] {strides = array<i32>} : memref<2048xf32, #tpu.memory_space<vmem>>, vector<16xf32>,
      %swap3A_393 = vector.shape_cast %swap3A_392 : vector<16xf32> to vector<16xf32>
      %swap3A_394 = vector.shape_cast %add3A_390 : vector<16xf32> to vector<16xf32>
      tpu.vector_store %arg11[%swap3A_391], %swap3A_394 {strides = array<i32>} : memref<2048xf32, #tpu.memory_space<vmem>>, vector<16xf32>,
      %mul3A_395 = arith.constant 4 : i32
      %mul3A_396 = arith.muli %scan3A_290, %mul3A_395 : i32
      %add3A_397 = arith.constant 2 : i32
      %add3A_398 = arith.addi %mul3A_396, %add3A_397 : i32
      %mul3A_399 = arith.constant 16 : i32
      %mul3A_400 = arith.muli %add3A_398, %mul3A_399 : i32
      %get3A_401 = arith.index_cast %mul3A_400 : i32 to index
      %get3A_402 = tpu.vector_load %arg6[%get3A_401] {strides = array<i32>} : memref<2048xi32, #tpu.memory_space<vmem>>, vector<16xi32>,
      %get3A_403 = vector.shape_cast %get3A_402 : vector<16xi32> to vector<16xi32>
      %get3A_404 = arith.index_cast %mul3A_400 : i32 to index
      %get3A_405 = tpu.vector_load %arg7[%get3A_404] {strides = array<i32>} : memref<2048xf32, #tpu.memory_space<vmem>>, vector<16xf32>,
      %get3A_406 = vector.shape_cast %get3A_405 : vector<16xf32> to vector<16xf32>
      %and3A_407 = arith.constant 262143 : i32
      %and3A_408 = vector.broadcast %and3A_407 : i32 to vector<16xi32>
      %and3A_409 = arith.andi %get3A_403, %and3A_408 : vector<16xi32>
      %and3A_410 = arith.constant 511 : i32
      %and3A_411 = vector.broadcast %and3A_410 : i32 to vector<16xi32>
      %and3A_412 = arith.andi %and3A_409, %and3A_411 : vector<16xi32>
      %convert_element_type3A_413 = arith.sitofp %and3A_412 : vector<16xi32> to vector<16xf32>
      %shift_right_arithmetic3A_414 = arith.constant 9 : i32
      %shift_right_arithmetic3A_415 = vector.broadcast %shift_right_arithmetic3A_414 : i32 to vector<16xi32>
      %shift_right_arithmetic3A_416 = arith.shrsi %and3A_409, %shift_right_arithmetic3A_415 : vector<16xi32>
      %convert_element_type3A_417 = arith.sitofp %shift_right_arithmetic3A_416 : vector<16xi32> to vector<16xf32>
      %mul3A_418 = arith.mulf %gather3A_230, %convert_element_type3A_413 : vector<16xf32>
      %mul3A_419 = arith.mulf %gather3A_234, %convert_element_type3A_417 : vector<16xf32>
      %add3A_420 = arith.addf %mul3A_418, %mul3A_419 : vector<16xf32>
      %add3A_421 = arith.addf %add3A_420, %gather3A_238 : vector<16xf32>
      %mul3A_422 = arith.mulf %get3A_406, %add3A_421 : vector<16xf32>
      %add3A_423 = arith.addf %mul3A_422, %gather3A_242 : vector<16xf32>
      %swap3A_424 = arith.index_cast %mul3A_400 : i32 to index
      %swap3A_425 = tpu.vector_load %arg9[%swap3A_424] {strides = array<i32>} : memref<2048xf32, #tpu.memory_space<vmem>>, vector<16xf32>,
      %swap3A_426 = vector.shape_cast %swap3A_425 : vector<16xf32> to vector<16xf32>
      %swap3A_427 = vector.shape_cast %add3A_423 : vector<16xf32> to vector<16xf32>
      tpu.vector_store %arg9[%swap3A_424], %swap3A_427 {strides = array<i32>} : memref<2048xf32, #tpu.memory_space<vmem>>, vector<16xf32>,
      %mul3A_428 = arith.mulf %gather3A_246, %convert_element_type3A_413 : vector<16xf32>
      %mul3A_429 = arith.mulf %gather3A_250, %convert_element_type3A_417 : vector<16xf32>
      %add3A_430 = arith.addf %mul3A_428, %mul3A_429 : vector<16xf32>
      %add3A_431 = arith.addf %add3A_430, %gather3A_254 : vector<16xf32>
      %mul3A_432 = arith.mulf %get3A_406, %add3A_431 : vector<16xf32>
      %add3A_433 = arith.addf %mul3A_432, %gather3A_258 : vector<16xf32>
      %swap3A_434 = arith.index_cast %mul3A_400 : i32 to index
      %swap3A_435 = tpu.vector_load %arg10[%swap3A_434] {strides = array<i32>} : memref<2048xf32, #tpu.memory_space<vmem>>, vector<16xf32>,
      %swap3A_436 = vector.shape_cast %swap3A_435 : vector<16xf32> to vector<16xf32>
      %swap3A_437 = vector.shape_cast %add3A_433 : vector<16xf32> to vector<16xf32>
      tpu.vector_store %arg10[%swap3A_434], %swap3A_437 {strides = array<i32>} : memref<2048xf32, #tpu.memory_space<vmem>>, vector<16xf32>,
      %mul3A_438 = arith.mulf %gather3A_262, %convert_element_type3A_413 : vector<16xf32>
      %mul3A_439 = arith.mulf %gather3A_266, %convert_element_type3A_417 : vector<16xf32>
      %add3A_440 = arith.addf %mul3A_438, %mul3A_439 : vector<16xf32>
      %add3A_441 = arith.addf %add3A_440, %gather3A_270 : vector<16xf32>
      %mul3A_442 = arith.mulf %get3A_406, %add3A_441 : vector<16xf32>
      %add3A_443 = arith.addf %mul3A_442, %gather3A_274 : vector<16xf32>
      %swap3A_444 = arith.index_cast %mul3A_400 : i32 to index
      %swap3A_445 = tpu.vector_load %arg11[%swap3A_444] {strides = array<i32>} : memref<2048xf32, #tpu.memory_space<vmem>>, vector<16xf32>,
      %swap3A_446 = vector.shape_cast %swap3A_445 : vector<16xf32> to vector<16xf32>
      %swap3A_447 = vector.shape_cast %add3A_443 : vector<16xf32> to vector<16xf32>
      tpu.vector_store %arg11[%swap3A_444], %swap3A_447 {strides = array<i32>} : memref<2048xf32, #tpu.memory_space<vmem>>, vector<16xf32>,
      %mul3A_448 = arith.constant 4 : i32
      %mul3A_449 = arith.muli %scan3A_290, %mul3A_448 : i32
      %add3A_450 = arith.constant 3 : i32
      %add3A_451 = arith.addi %mul3A_449, %add3A_450 : i32
      %mul3A_452 = arith.constant 16 : i32
      %mul3A_453 = arith.muli %add3A_451, %mul3A_452 : i32
      %get3A_454 = arith.index_cast %mul3A_453 : i32 to index
      %get3A_455 = tpu.vector_load %arg6[%get3A_454] {strides = array<i32>} : memref<2048xi32, #tpu.memory_space<vmem>>, vector<16xi32>,
      %get3A_456 = vector.shape_cast %get3A_455 : vector<16xi32> to vector<16xi32>
      %get3A_457 = arith.index_cast %mul3A_453 : i32 to index
      %get3A_458 = tpu.vector_load %arg7[%get3A_457] {strides = array<i32>} : memref<2048xf32, #tpu.memory_space<vmem>>, vector<16xf32>,
      %get3A_459 = vector.shape_cast %get3A_458 : vector<16xf32> to vector<16xf32>
      %and3A_460 = arith.constant 262143 : i32
      %and3A_461 = vector.broadcast %and3A_460 : i32 to vector<16xi32>
      %and3A_462 = arith.andi %get3A_456, %and3A_461 : vector<16xi32>
      %and3A_463 = arith.constant 511 : i32
      %and3A_464 = vector.broadcast %and3A_463 : i32 to vector<16xi32>
      %and3A_465 = arith.andi %and3A_462, %and3A_464 : vector<16xi32>
      %convert_element_type3A_466 = arith.sitofp %and3A_465 : vector<16xi32> to vector<16xf32>
      %shift_right_arithmetic3A_467 = arith.constant 9 : i32
      %shift_right_arithmetic3A_468 = vector.broadcast %shift_right_arithmetic3A_467 : i32 to vector<16xi32>
      %shift_right_arithmetic3A_469 = arith.shrsi %and3A_462, %shift_right_arithmetic3A_468 : vector<16xi32>
      %convert_element_type3A_470 = arith.sitofp %shift_right_arithmetic3A_469 : vector<16xi32> to vector<16xf32>
      %mul3A_471 = arith.mulf %gather3A_230, %convert_element_type3A_466 : vector<16xf32>
      %mul3A_472 = arith.mulf %gather3A_234, %convert_element_type3A_470 : vector<16xf32>
      %add3A_473 = arith.addf %mul3A_471, %mul3A_472 : vector<16xf32>
      %add3A_474 = arith.addf %add3A_473, %gather3A_238 : vector<16xf32>
      %mul3A_475 = arith.mulf %get3A_459, %add3A_474 : vector<16xf32>
      %add3A_476 = arith.addf %mul3A_475, %gather3A_242 : vector<16xf32>
      %swap3A_477 = arith.index_cast %mul3A_453 : i32 to index
      %swap3A_478 = tpu.vector_load %arg9[%swap3A_477] {strides = array<i32>} : memref<2048xf32, #tpu.memory_space<vmem>>, vector<16xf32>,
      %swap3A_479 = vector.shape_cast %swap3A_478 : vector<16xf32> to vector<16xf32>
      %swap3A_480 = vector.shape_cast %add3A_476 : vector<16xf32> to vector<16xf32>
      tpu.vector_store %arg9[%swap3A_477], %swap3A_480 {strides = array<i32>} : memref<2048xf32, #tpu.memory_space<vmem>>, vector<16xf32>,
      %mul3A_481 = arith.mulf %gather3A_246, %convert_element_type3A_466 : vector<16xf32>
      %mul3A_482 = arith.mulf %gather3A_250, %convert_element_type3A_470 : vector<16xf32>
      %add3A_483 = arith.addf %mul3A_481, %mul3A_482 : vector<16xf32>
      %add3A_484 = arith.addf %add3A_483, %gather3A_254 : vector<16xf32>
      %mul3A_485 = arith.mulf %get3A_459, %add3A_484 : vector<16xf32>
      %add3A_486 = arith.addf %mul3A_485, %gather3A_258 : vector<16xf32>
      %swap3A_487 = arith.index_cast %mul3A_453 : i32 to index
      %swap3A_488 = tpu.vector_load %arg10[%swap3A_487] {strides = array<i32>} : memref<2048xf32, #tpu.memory_space<vmem>>, vector<16xf32>,
      %swap3A_489 = vector.shape_cast %swap3A_488 : vector<16xf32> to vector<16xf32>
      %swap3A_490 = vector.shape_cast %add3A_486 : vector<16xf32> to vector<16xf32>
      tpu.vector_store %arg10[%swap3A_487], %swap3A_490 {strides = array<i32>} : memref<2048xf32, #tpu.memory_space<vmem>>, vector<16xf32>,
      %mul3A_491 = arith.mulf %gather3A_262, %convert_element_type3A_466 : vector<16xf32>
      %mul3A_492 = arith.mulf %gather3A_266, %convert_element_type3A_470 : vector<16xf32>
      %add3A_493 = arith.addf %mul3A_491, %mul3A_492 : vector<16xf32>
      %add3A_494 = arith.addf %add3A_493, %gather3A_270 : vector<16xf32>
      %mul3A_495 = arith.mulf %get3A_459, %add3A_494 : vector<16xf32>
      %add3A_496 = arith.addf %mul3A_495, %gather3A_274 : vector<16xf32>
      %swap3A_497 = arith.index_cast %mul3A_453 : i32 to index
      %swap3A_498 = tpu.vector_load %arg11[%swap3A_497] {strides = array<i32>} : memref<2048xf32, #tpu.memory_space<vmem>>, vector<16xf32>,
      %swap3A_499 = vector.shape_cast %swap3A_498 : vector<16xf32> to vector<16xf32>
      %swap3A_500 = vector.shape_cast %add3A_496 : vector<16xf32> to vector<16xf32>
      tpu.vector_store %arg11[%swap3A_497], %swap3A_500 {strides = array<i32>} : memref<2048xf32, #tpu.memory_space<vmem>>, vector<16xf32>,
      %scan3A_501 = arith.constant 0 : i32
      scf.yield %scan3A_501 : i32
    }
    %scan3A_280 = arith.constant 32 : i32
    %mul3A_281 = arith.constant 3 : i32
    %mul3A_282 = arith.muli %select_n3A, %mul3A_281 : i32
    %mul3A_283 = arith.constant 16384 : i32
    %mul3A_284 = arith.muli %mul3A_282, %mul3A_283 : i32
    %add3A_285 = arith.addi %mul3A_284, %mul3A_32 : i32
    "tpu.region"() ({
      %run_scoped3A = tpu.sem_alloc : memref<!tpu.dma_semaphore, #tpu.memory_space<semaphore_mem>>
      %dma_start3A_290 = tpu.memref_slice %arg5[%add3A_285] : memref<196608xf32, #tpu.memory_space<hbm>> -> memref<2048xf32, #tpu.memory_space<hbm>>
      %dma_start3A_291 = tpu.memref_slice %arg5[%add3A_285] : memref<196608xf32, #tpu.memory_space<hbm>> -> memref<2048xf32, #tpu.memory_space<hbm>>
      tpu.enqueue_dma source(%arg9 : memref<2048xf32, #tpu.memory_space<vmem>>) target(%dma_start3A_291 : memref<2048xf32, #tpu.memory_space<hbm>>) target_semaphore(%run_scoped3A : memref<!tpu.dma_semaphore, #tpu.memory_space<semaphore_mem>>)
      %dma_wait3A_292 = tpu.memref_slice %arg5[%add3A_285] : memref<196608xf32, #tpu.memory_space<hbm>> -> memref<2048xf32, #tpu.memory_space<hbm>>
      %dma_wait3A_293 = tpu.memref_slice %arg5[%add3A_285] : memref<196608xf32, #tpu.memory_space<hbm>> -> memref<2048xf32, #tpu.memory_space<hbm>>
      tpu.wait_dma2 semaphore(%run_scoped3A : memref<!tpu.dma_semaphore, #tpu.memory_space<semaphore_mem>>) src(%arg9 : memref<2048xf32, #tpu.memory_space<vmem>>) dst(%dma_wait3A_293 : memref<2048xf32, #tpu.memory_space<hbm>>)
      tpu.yield
    }) : () -> ()
    %add3A_286 = arith.constant 16384 : i32
    %add3A_287 = arith.addi %add3A_285, %add3A_286 : i32
    "tpu.region"() ({
      %run_scoped3A = tpu.sem_alloc : memref<!tpu.dma_semaphore, #tpu.memory_space<semaphore_mem>>
      %dma_start3A_290 = tpu.memref_slice %arg5[%add3A_287] : memref<196608xf32, #tpu.memory_space<hbm>> -> memref<2048xf32, #tpu.memory_space<hbm>>
      %dma_start3A_291 = tpu.memref_slice %arg5[%add3A_287] : memref<196608xf32, #tpu.memory_space<hbm>> -> memref<2048xf32, #tpu.memory_space<hbm>>
      tpu.enqueue_dma source(%arg10 : memref<2048xf32, #tpu.memory_space<vmem>>) target(%dma_start3A_291 : memref<2048xf32, #tpu.memory_space<hbm>>) target_semaphore(%run_scoped3A : memref<!tpu.dma_semaphore, #tpu.memory_space<semaphore_mem>>)
      %dma_wait3A_292 = tpu.memref_slice %arg5[%add3A_287] : memref<196608xf32, #tpu.memory_space<hbm>> -> memref<2048xf32, #tpu.memory_space<hbm>>
      %dma_wait3A_293 = tpu.memref_slice %arg5[%add3A_287] : memref<196608xf32, #tpu.memory_space<hbm>> -> memref<2048xf32, #tpu.memory_space<hbm>>
      tpu.wait_dma2 semaphore(%run_scoped3A : memref<!tpu.dma_semaphore, #tpu.memory_space<semaphore_mem>>) src(%arg10 : memref<2048xf32, #tpu.memory_space<vmem>>) dst(%dma_wait3A_293 : memref<2048xf32, #tpu.memory_space<hbm>>)
      tpu.yield
    }) : () -> ()
    %add3A_288 = arith.constant 32768 : i32
    %add3A_289 = arith.addi %add3A_285, %add3A_288 : i32
    "tpu.region"() ({
      %run_scoped3A = tpu.sem_alloc : memref<!tpu.dma_semaphore, #tpu.memory_space<semaphore_mem>>
      %dma_start3A_290 = tpu.memref_slice %arg5[%add3A_289] : memref<196608xf32, #tpu.memory_space<hbm>> -> memref<2048xf32, #tpu.memory_space<hbm>>
      %dma_start3A_291 = tpu.memref_slice %arg5[%add3A_289] : memref<196608xf32, #tpu.memory_space<hbm>> -> memref<2048xf32, #tpu.memory_space<hbm>>
      tpu.enqueue_dma source(%arg11 : memref<2048xf32, #tpu.memory_space<vmem>>) target(%dma_start3A_291 : memref<2048xf32, #tpu.memory_space<hbm>>) target_semaphore(%run_scoped3A : memref<!tpu.dma_semaphore, #tpu.memory_space<semaphore_mem>>)
      %dma_wait3A_292 = tpu.memref_slice %arg5[%add3A_289] : memref<196608xf32, #tpu.memory_space<hbm>> -> memref<2048xf32, #tpu.memory_space<hbm>>
      %dma_wait3A_293 = tpu.memref_slice %arg5[%add3A_289] : memref<196608xf32, #tpu.memory_space<hbm>> -> memref<2048xf32, #tpu.memory_space<hbm>>
      tpu.wait_dma2 semaphore(%run_scoped3A : memref<!tpu.dma_semaphore, #tpu.memory_space<semaphore_mem>>) src(%arg11 : memref<2048xf32, #tpu.memory_space<vmem>>) dst(%dma_wait3A_293 : memref<2048xf32, #tpu.memory_space<hbm>>)
      tpu.yield
    }) : () -> ()
    return
  }
}

</mosaic_0001>

<sc_bundles>
// kernel: kernel.3.cloned.1.call-start
scs
__scs_entry_jumppad:
0x0: {  	(pc) =	sbr.rel $0x88, $3  }
0x1: {  	(tag) =	ssettag $0x0;
	lr =	simm.s32 $0x1  }
0x2: {  	[smem:$0x3F9F] =	sst lr;
	_ =	strace $0xD0000000  }
0x3: {  	_ = 	snop  }
0x4: {  	_ = 	snop  }
0x5: {  	_ = 	snop  }
0x6: {  	_ = 	snop  }
0x7: {  	_ = 	snop  }
__scs_overlays_trampoline_lowered:
0x8: {  	[smem:$0x3FAE] =	sst s0  }
0x9: {  	[smem:$0x3FAF] =	sst s1  }
0xa: {  	[smem:$0x3FB0] =	sst s2  }
0xb: {  	[smem:$0x3FB1] =	sst s3  }
0xc: {  	[smem:$0x3FB2] =	sst s4  }
0xd: {  	[smem:$0x3FB3] =	sst s5  }
0xe: {  	[smem:$0x3FB4] =	sst s6  }
0xf: {  	[smem:$0x3FB5] =	sst s7  }
0x10: {  	[smem:$0x3FB6] =	sst s8  }
0x11: {  	[smem:$0x3FB7] =	sst s9;
	s0 =	simm.s32 @!p0 $0x0  }
0x12: {  	s1 =	sld [smem:$0x3F9D];
	s0 =	simm.s32 @p0 $0x1  }
0x13: {  	[smem:$0x3FB8] =	sst s0;
	s0 =	simm.s32 @!p1 $0x0  }
0x14: {  	s2 =	sld [smem:$0x3F9C];
	s0 =	simm.s32 @p1 $0x1  }
0x15: {  	[smem:$0x3FB9] =	sst s0;
	s0 =	simm.s32 @!p2 $0x0  }
0x16: {  	s3 =	sld [smem:$0x3FDB];
	s0 =	simm.s32 @p2 $0x1  }
0x17: {  	s4 =	simm.s32 $0x1BF5;
	[smem:$0x3FBB] =	sst s0  }
0x18: {  	s0 =	sld [smem:$0x3F9E];
	_ =	swait.ge [sflag:s4], $0x0  }
0x19: {  	s7 =	sld [smem:$0x3F9F]  }
0x1a: {  	s8 =	sadd.s32 $0xFFFFE003, lr  }
0x1b: {  	s9 =	sadd.s32 $0xFFFFFEF7, lr;
	s5 =	simm.s32 $0xFFFFFFFF;
	p2 =	slt.u32 s8, $0xFFFFF086  }
0x1c: {  	p1 =	slt.u32 s9, $0xF7A;
	s5 =	simm.s32 @!p2 $0x0  }
0x1d: {  	s5 =	simm.s32 @p1 $0x1;
	p0 =	seq.s32 s7, s2  }
0x1e: {  	s7 =	smul.u32 @!p0 $0xF7A, s2;
	p2 =	seq.s32 @!p0 s5, $0x0  }
0x1f: {  	s9 =	smul.u32 $0xF7A, s1;
	s8 =	simm.s32 @!p0 $0x1BF5;
	p2 =	por !p2, p0  }
0x20: {  	[sflag:s8] =	ssyncset.s32 @!p0 $0xFFFFF086;
	s6 =	sadd.s32 @!p0 s3, s7;
	s7 =	simm.s32 @!p0 $0x108  }
0x21: {  	s3 =	sadd.s32 s3, s9;
	s6 =	sadd.s32 @!p0 $0x88, s6;
	s7 =	simm.s32 @p2 $0x1082  }
0x22: {  	[simem:s7], [sflag:s8] =	dma.local @!p0 [hbm:s6], $0xF7A  }
0x23: {  	s9 =	sor.u32 $0xD0000000, s2;
	s6 =	simm.s32 $0x108;
	_ =	swait.ge @!p0 [sflag:s8], $0x0  }
0x24: {  	s3 =	sadd.s32 $0x88, s3;
	s6 =	simm.s32 @!p1 $0x1082;
	[sflag:s4] =	ssyncset.s32 $0xFFFFF086  }
0x25: {  	[simem:s6], [sflag:s4] =	dma.local [hbm:s3], $0xF7A  }
0x26: {  	[smem:$0x3F9F] =	sst s1;
	(tag) =	ssettag s2;
	_ =	strace s9  }
0x27: {  	s1 =	sld [smem:$0x3FAF]  }
0x28: {  	s2 =	sld [smem:$0x3FB0]  }
0x29: {  	s4 =	sld [smem:$0x3FB2]  }
0x2a: {  	p0 =	seq.s32 s5, $0x0;
	s5 =	sld [smem:$0x3FB3]  }
0x2b: {  	s6 =	sld [smem:$0x3FB4]  }
0x2c: {  	s7 =	sld [smem:$0x3FB5]  }
0x2d: {  	s3 =	simm.s32 $0x108;
	s8 =	sld [smem:$0x3FB6]  }
0x2e: {  	s3 =	simm.s32 @!p0 $0x1082;
	s9 =	sld [smem:$0x3FB7]  }
0x2f: {  	lr =	sadd.s32 s0, s3;
	s0 =	sld [smem:$0x3FAE]  }
0x30: {  	s3 =	sld [smem:$0x3FB1]  }
0x31: {  	[smem:$0x3FBA] =	sst s10  }
0x32: {  	s10 =	sld [smem:$0x3FB8];
	_ =	sdelay $0x3  }
0x33: {  	p0 =	seq.s32 s10, $0x1;
	s10 =	sld [smem:$0x3FBA];
	_ =	sdelay $0x3  }
0x34: {  	[smem:$0x3FBA] =	sst s10  }
0x35: {  	s10 =	sld [smem:$0x3FB9];
	_ =	sdelay $0x3  }
0x36: {  	p1 =	seq.s32 s10, $0x1;
	s10 =	sld [smem:$0x3FBA];
	_ =	sdelay $0x3  }
0x37: {  	[smem:$0x3FBA] =	sst s10  }
0x38: {  	s10 =	sld [smem:$0x3FBB]  }
0x39: {  	_ = 	snop;
	(pc) =	sbr.ind lr, $3  }
0x3a: {  	_ = 	snop  }
0x3b: {  	_ = 	snop  }
0x3c: {  	p2 =	seq.s32 s10, $0x1;
	s10 =	sld [smem:$0x3FBA]  }
0x3d: {  	_ =	shalt  }
0x3e: {  	_ =	shalt  }
0x3f: {  	_ =	shalt  }
0x40: {  	_ =	shalt  }
0x41: {  	_ =	shalt  }
0x42: {  	_ =	shalt  }
0x43: {  	_ =	shalt  }
0x44: {  	_ =	shalt  }
0x45: {  	_ =	shalt  }
0x46: {  	_ =	shalt  }
0x47: {  	_ =	shalt  }
0x48: {  	_ =	shalt  }
0x49: {  	_ =	shalt  }
0x4a: {  	_ =	shalt  }
0x4b: {  	_ =	shalt  }
0x4c: {  	_ =	shalt  }
0x4d: {  	_ =	shalt  }
0x4e: {  	_ =	shalt  }
0x4f: {  	_ =	shalt  }
0x50: {  	_ =	shalt  }
0x51: {  	_ =	shalt  }
0x52: {  	_ =	shalt  }
0x53: {  	_ =	shalt  }
0x54: {  	_ =	shalt  }
0x55: {  	_ =	shalt  }
0x56: {  	_ =	shalt  }
0x57: {  	_ =	shalt  }
0x58: {  	_ =	shalt  }
0x59: {  	_ =	shalt  }
0x5a: {  	_ =	shalt  }
0x5b: {  	_ =	shalt  }
0x5c: {  	_ =	shalt  }
0x5d: {  	_ =	shalt  }
0x5e: {  	_ =	shalt  }
0x5f: {  	_ =	shalt  }
0x60: {  	_ =	shalt  }
0x61: {  	_ =	shalt  }
0x62: {  	_ =	shalt  }
0x63: {  	_ =	shalt  }
0x64: {  	_ =	shalt  }
0x65: {  	_ =	shalt  }
0x66: {  	_ =	shalt  }
0x67: {  	_ =	shalt  }
0x68: {  	_ =	shalt  }
0x69: {  	_ =	shalt  }
0x6a: {  	_ =	shalt  }
0x6b: {  	_ =	shalt  }
0x6c: {  	_ =	shalt  }
0x6d: {  	_ =	shalt  }
0x6e: {  	_ =	shalt  }
0x6f: {  	_ =	shalt  }
0x70: {  	_ =	shalt  }
0x71: {  	_ =	shalt  }
0x72: {  	_ =	shalt  }
0x73: {  	_ =	shalt  }
0x74: {  	_ =	shalt  }
0x75: {  	_ =	shalt  }
0x76: {  	_ =	shalt  }
0x77: {  	_ =	shalt  }
0x78: {  	_ =	shalt  }
0x79: {  	_ =	shalt  }
0x7a: {  	_ =	shalt  }
0x7b: {  	_ =	shalt  }
0x7c: {  	_ =	shalt  }
0x7d: {  	_ =	shalt  }
0x7e: {  	_ =	shalt  }
0x7f: {  	_ =	shalt  }
0x80: {  	_ =	shalt  }
0x81: {  	_ =	shalt  }
0x82: {  	_ =	shalt  }
0x83: {  	_ =	shalt  }
0x84: {  	_ =	shalt  }
0x85: {  	_ =	shalt  }
0x86: {  	_ =	shalt  }
0x87: {  	_ =	shalt  }
.Lfunc_end0:
.L_simem_size_0:
called_computation_lowered:
.L_overlay_start_0:
0x88: {  	s2 =	sld [smem:$0x3FD9]  }
0x89: {  	s3 =	sld [smem:$0x3FFE];
	_ =	sdelay $0x1  }
0x8a: {  	s1 =	srdreg.scid  }
0x8b: {  	s0 =	sand.u32 $0x1, s1  }
0x8c: {  	s17 =	sshll.u32 s0, $0xA;
	s2 =	sadd.s32 s3, s2  }
0x8d: {  	s2 =	sadd.s32 s2, s17  }
0x8e: {  	[smem:$0x3FC6] =	sst s2  }
0x8f: {  	_ = 	snop  }
0x90: {  	s2 =	sld [smem:$0x3FD0];
	(tm) =	ssettm $0x1  }
0x91: {  	s18 =	sld [smem:$0x3FFB];
	_ =	sdelay $0x3  }
0x92: {  	_ =	strace s18  }
0x93: {  	s3 =	sld [smem:$0x3FFC];
	_ =	sdelay $0x3  }
0x94: {  	_ =	strace s3  }
0x95: {  	s3 =	sld [smem:$0x3FFD];
	_ =	sdelay $0x3  }
0x96: {  	_ =	strace s3  }
0x97: {  	_ =	strace $0x8FFFFFFF  }
0x98: {  	s19 =	sld [smem:$0x3FDB];
	_ =	sdelay $0x1  }
0x99: {  	s4 =	simm.s32 $_scs_section_size  }
0x9a: {  	s5 =	simm.s32 $_size__tile_overlayer_lowered;
	s6 =	simm.s32 $_tile_overlayer_lowered  }
0x9b: {  	s22 =	simm.s32 $0x1BFF;
	s21 =	sshll.u32 s6, $0x1;
	s3 =	sadd.s32 s4, s19  }
0x9c: {  	s7 =	simm.s32 $0x0;
	s20 =	sshll.u32 s5, $0x1;
	s5 =	sadd.s32 s21, s3  }
0x9d: {  	[timem:s7], [sflag:s22] =	dma.local [hbm:s5], s20  }
0x9e: {  	_ =	swait.ge [sflag:s22], s20  }
0x9f: {  	s4 =	ssub.s32 $0x0, s20;
	[sflag:s22] =	ssyncset.done $0x0  }
0xa0: {  	[sflag:s22] =	ssyncadd.s32 s4;
	_ =	sdelay $0x1  }
0xa1: {  	s23 =	simm.s32 $0x1B8B  }
0xa2: {  	_ =	swait.ge [sflag:s23], $0x1  }
0xa3: {  	[sflag:s23] =	ssyncset.done $0x0  }
0xa4: {  	s25 =	simm.s32 $0x1B8E;
	s24 =	sld [smem:$0x3FFE];
	[sflag:s23] =	ssyncadd.s32 $0xFFFFFFFF  }
0xa5: {  	s26 =	simm.s32 $execute0_lowered;
	[smem:$0x3FD2] =	sst s25  }
0xa6: {  	s5 =	sshll.u32 s26, $0x1;
	_ =	strace $0x80000046;
	[dreg:$0x1] =	wrdreg $0xFFFFFFFF  }
0xa7: {  	s28 =	simm.s32 $_size_execute0_lowered;
	s3 =	sadd.s32 s3, s5;
	[dreg:$0x0] =	wrdreg $0x0  }
0xa8: {  	s5 =	sshll.u32 s28, $0x1;
	[dreg:$0x2] =	wrdreg s3  }
0xa9: {  	[dreg:$0x3] =	wrdreg s5  }
0xaa: {  	[dreg:$0x4] =	wrdreg $0xC0  }
0xab: {  	_ =	task [dreg:s7], $0x5FFFF  }
0xac: {  	[dreg:$0x1] =	wrdreg $0xFFFFFFFF  }
0xad: {  	[dreg:$0x0] =	wrdreg $0x60  }
0xae: {  	[dreg:$0x2] =	wrdreg s24  }
0xaf: {  	[dreg:$0x3] =	wrdreg s2  }
0xb0: {  	[dreg:$0x4] =	wrdreg $0x9  }
0xb1: {  	_ =	task.clear_ibuf [dreg:s7], $0x5FFFF;
	_ =	strace $0x90000046  }
0xb2: {  	s29 =	simm.s32 $0x9;
	_ =	strace $0x80000048  }
0xb3: {  	_ =	swait.ge [sflag:s29], $0x1  }
0xb4: {  	[sflag:s29] =	ssyncadd.s32 $0xFFFFFFFF  }
0xb5: {  	_ =	strace $0x90000048  }
0xb6: {  	_ =	sfence  }
0xb7: {  	s30 =	sld [smem:$0x0];
	_ =	sdelay $0x2  }
0xb8: {  	s31 =	sshll.u32 s1, $0xD;
	s1 =	sshrl.u32 s1, $0x2  }
0xb9: {  	s3 =	sand.u32 $0x4000, s31;
	s1 =	sadd.s32 s1, s30  }
0xba: {  	s0 =	sor.u32 s3, s0;
	s1 =	sshll.u32 s1, $0x11  }
0xbb: {  	s0 =	sor.u32 s1, s0  }
0xbc: {  	s0 =	sadd.s32 $0x8F2B, s0  }
0xbd: {  	[sflag:s0] =	ssyncadd.remote.s32 $0x1  }
0xbe: {  	_ =	sfence.sel $0xFFFF  }
0xbf: {  	[dreg:$0x0] =	wrdreg $0xFFFFFFFF;
	(pc) =	sbr.abs _section_cstart, $3  }
0xc0: {  	[dreg:$0x1] =	wrdreg $0xFFFFFFFF  }
0xc1: {  	_ =	task.clear_ibuf [dreg:s7], $0x2FFFF;
	_ =	strace $0x9FFFFFFF  }
0xc2: {  	(tm) =	ssettm $0x7FFFFFFF  }
0xc3: {  	_ =	shalt  }
tec
execute0_lowered:
.L_overlay_start_1:
0x0: {  	(tag) =	ssettag $0x1  }
0x1: {  	s0 =	rddreg [dreg:$0x0]  }
0x2: {  	s1 =	rddreg [dreg:$0x1]  }
0x3: {  	s2 =	simm.s32 $0x0;
	s5 =	stileid.u32;
	s3 =	srdreg.scid  }
0x4: {  	s10 =	simm.s32 $0x2;
	s12 =	simm.s32 $0x80;
	s31 =	simm.s32 $0xC80  }
0x5: {  	s11 =	simm.s32 $0x580;
	s13 =	simm.s32 $0xD80;
	s14 =	simm.s32 $0x600  }
0x6: {  	s15 =	simm.s32 $0xE00;
	s16 =	simm.s32 $0x680;
	s17 =	simm.s32 $0xE80  }
0x7: {  	s18 =	simm.s32 $0x700;
	s19 =	simm.s32 $0xF00;
	s20 =	simm.s32 $0x780  }
0x8: {  	s21 =	simm.s32 $0xF80;
	s22 =	simm.s32 $0x1;
	s23 =	simm.s32 $0x1080  }
0x9: {  	s24 =	simm.s32 $0x1880;
	s25 =	simm.s32 $0x2080;
	s26 =	simm.s32 $0x0  }
0xa: {  	[smem:$0x7FF] =	sst s2;
	s4 =	sand.u32 $0x1, s3;
	s29 =	sshll.u32 s5, $0x1  }
0xb: {  	s5 =	sshrl.u32 s5, $0x2;
	s3 =	sadd.s32 $0x800, s0;
	_ =	strace $0x80000047  }
0xc: {  	s6 =	sor.u32 s4, s29;
	s7 =	sshll.u32 s5, $0x1;
	s5 =	smul.u32 $0xC000, s5  }
0xd: {  	s4 =	ssub.s32 $0x2, s4;
	s8 =	sshll.u32 s6, $0xB;
	s7 =	sadd.s32 s7, s0  }
0xe: {  	s6 =	sshll.u32 s6, $0x8;
	s30 =	sshrl.u32 s4, $0x1;
	s8 =	sand.u32 $0x3800, s8  }
0xf: {  	v0 =	vimm.s32 $0x0;
	v1 =	vimm.s32 $0x1;
	v2 =	vimm.s32 $0x2;
	s0 =	sadd.s32 s6, s0;
	s9 =	ssub.s32 s4, s30;
	s5 =	sor.u32 s5, s8  }
0x10: {  	v3 =	vimm.s32 $0x3;
	v4 =	vimm.s32 $0x4;
	v5 =	vimm.s32 $0x5;
	s6 =	sadd.s32 $0x600, s7;
	s4 =	sadd.s32 $0x20800, s0;
	s5 =	sshrl.u32 s5, $0x3  }
0x11: {  	v6 =	vimm.s32 $0x6;
	v7 =	vimm.s32 $0x7;
	v8 =	vimm.s32 $0x8;
	s9 =	smax.u32 s9, $0x1;
	s0 =	simm.s32 $0x500;
	s5 =	sadd.s32 s1, s5  }
0x12: {  	v9 =	vimm.s32 $0x9;
	v10 =	vimm.s32 $0xA;
	v11 =	vimm.s32 $0xB;
	s1 =	simm.s32 $0xD00;
	s7 =	sadd.s32 $0x800, s5;
	s8 =	sadd.s32 $0x1000, s5  }
.LBB2_1:
0x13: {  	[tilespmem:s2], [sflag:$0x2] =	stream.linear.gather [hbm4b:s4+s2], $0x800, $0x38;
	[tilespmem:$0x2880] =	vst v63  }
0x14: {  	_ =	swait.ge [sflag:s10], $0x800  }
0x15: {  	[sflag:s10] =	ssyncset.done $0x0  }
0x16: {  	s28 =	simm.s32 $0x1000;
	[sflag:s10] =	ssyncadd.s32 $0xFFFFF800  }
0x17: {  	[tilespmem:s28], [sflag:$0x2] =	stream.linear.gather [hbm4b:s6+s2], $0x10, $0x38;
	[tilespmem:$0x2880] =	vst v63  }
0x18: {  	_ =	swait.ge [sflag:s10], $0x10  }
0x19: {  	[sflag:s10] =	ssyncset.done $0x0  }
0x1a: {  	s28 =	simm.s32 $0x800;
	[sflag:s10] =	ssyncadd.s32 $0xFFFFFFF0  }
0x1b: {  	[tilespmem:s28], [sflag:$0x1] =	stream.indirect.gather [hbm4b:s3+s12], $0x1, s2, s12, $0xb8;
	[tilespmem:$0x2880] =	vst v63  }
0x1c: {  	s28 =	simm.s32 $0x880  }
0x1d: {  	[tilespmem:s28], [sflag:$0x1] =	stream.indirect.gather [hbm4b:s3+s12], $0x1, s12, s12, $0xb8;
	[tilespmem:$0x2880] =	vst v63  }
0x1e: {  	s29 =	simm.s32 $0x900;
	s28 =	simm.s32 $0x100  }
0x1f: {  	[tilespmem:s29], [sflag:$0x1] =	stream.indirect.gather [hbm4b:s3+s12], $0x1, s28, s12, $0xb8;
	[tilespmem:$0x2880] =	vst v63  }
0x20: {  	s28 =	simm.s32 $0x180;
	s29 =	simm.s32 $0x980  }
0x21: {  	[tilespmem:s29], [sflag:$0x1] =	stream.indirect.gather [hbm4b:s3+s12], $0x1, s28, s12, $0xb8;
	[tilespmem:$0x2880] =	vst v63  }
0x22: {  	s28 =	simm.s32 $0x200;
	s29 =	simm.s32 $0xA00  }
0x23: {  	[tilespmem:s29], [sflag:$0x1] =	stream.indirect.gather [hbm4b:s3+s12], $0x1, s28, s12, $0xb8;
	[tilespmem:$0x2880] =	vst v63  }
0x24: {  	s28 =	simm.s32 $0x280;
	s29 =	simm.s32 $0xA80  }
0x25: {  	[tilespmem:s29], [sflag:$0x1] =	stream.indirect.gather [hbm4b:s3+s12], $0x1, s28, s12, $0xb8;
	[tilespmem:$0x2880] =	vst v63  }
0x26: {  	s28 =	simm.s32 $0x300;
	s29 =	simm.s32 $0xB00  }
0x27: {  	[tilespmem:s29], [sflag:$0x1] =	stream.indirect.gather [hbm4b:s3+s12], $0x1, s28, s12, $0xb8;
	[tilespmem:$0x2880] =	vst v63  }
0x28: {  	s28 =	simm.s32 $0x380;
	s29 =	simm.s32 $0xB80  }
0x29: {  	[tilespmem:s29], [sflag:$0x1] =	stream.indirect.gather [hbm4b:s3+s12], $0x1, s28, s12, $0xb8;
	[tilespmem:$0x2880] =	vst v63  }
0x2a: {  	s28 =	simm.s32 $0x400;
	s29 =	simm.s32 $0xC00  }
0x2b: {  	[tilespmem:s29], [sflag:$0x1] =	stream.indirect.gather [hbm4b:s3+s12], $0x1, s28, s12, $0xb8;
	[tilespmem:$0x2880] =	vst v63  }
0x2c: {  	s28 =	simm.s32 $0x480  }
0x2d: {  	[tilespmem:s31], [sflag:$0x1] =	stream.indirect.gather [hbm4b:s3+s12], $0x1, s28, s12, $0xb8;
	[tilespmem:$0x2880] =	vst v63  }
0x2e: {  	_ = 	snop  }
0x2f: {  	[tilespmem:s1], [sflag:$0x1] =	stream.indirect.gather [hbm4b:s3+s12], $0x1, s0, s12, $0xb8;
	[tilespmem:$0x2880] =	vst v63  }
0x30: {  	_ = 	snop  }
0x31: {  	[tilespmem:s13], [sflag:$0x1] =	stream.indirect.gather [hbm4b:s3+s12], $0x1, s11, s12, $0xb8;
	[tilespmem:$0x2880] =	vst v63  }
0x32: {  	_ = 	snop  }
0x33: {  	[tilespmem:s15], [sflag:$0x1] =	stream.indirect.gather [hbm4b:s3+s12], $0x1, s14, s12, $0xb8;
	[tilespmem:$0x2880] =	vst v63  }
0x34: {  	_ = 	snop  }
0x35: {  	[tilespmem:s17], [sflag:$0x1] =	stream.indirect.gather [hbm4b:s3+s12], $0x1, s16, s12, $0xb8;
	[tilespmem:$0x2880] =	vst v63  }
0x36: {  	_ = 	snop  }
0x37: {  	[tilespmem:s19], [sflag:$0x1] =	stream.indirect.gather [hbm4b:s3+s12], $0x1, s18, s12, $0xb8;
	[tilespmem:$0x2880] =	vst v63  }
0x38: {  	_ = 	snop  }
0x39: {  	[tilespmem:s21], [sflag:$0x1] =	stream.indirect.gather [hbm4b:s3+s12], $0x1, s20, s12, $0xb8;
	[tilespmem:$0x2880] =	vst v63  }
0x3a: {  	_ =	swait.ge [sflag:s22], $0x80  }
0x3b: {  	[sflag:s22] =	ssyncset.done $0x0  }
0x3c: {  	[sflag:s22] =	ssyncadd.s32 $0xFFFFFF80  }
0x3d: {  	_ =	swait.ge [sflag:s22], $0x80  }
0x3e: {  	[sflag:s22] =	ssyncset.done $0x0  }
0x3f: {  	[sflag:s22] =	ssyncadd.s32 $0xFFFFFF80  }
0x40: {  	_ =	swait.ge [sflag:s22], $0x80  }
0x41: {  	[sflag:s22] =	ssyncset.done $0x0  }
0x42: {  	[sflag:s22] =	ssyncadd.s32 $0xFFFFFF80  }
0x43: {  	_ =	swait.ge [sflag:s22], $0x80  }
0x44: {  	[sflag:s22] =	ssyncset.done $0x0  }
0x45: {  	[sflag:s22] =	ssyncadd.s32 $0xFFFFFF80  }
0x46: {  	_ =	swait.ge [sflag:s22], $0x80  }
0x47: {  	[sflag:s22] =	ssyncset.done $0x0  }
0x48: {  	[sflag:s22] =	ssyncadd.s32 $0xFFFFFF80  }
0x49: {  	_ =	swait.ge [sflag:s22], $0x80  }
0x4a: {  	[sflag:s22] =	ssyncset.done $0x0  }
0x4b: {  	[sflag:s22] =	ssyncadd.s32 $0xFFFFFF80  }
0x4c: {  	_ =	swait.ge [sflag:s22], $0x80  }
0x4d: {  	[sflag:s22] =	ssyncset.done $0x0  }
0x4e: {  	[sflag:s22] =	ssyncadd.s32 $0xFFFFFF80  }
0x4f: {  	_ =	swait.ge [sflag:s22], $0x80  }
0x50: {  	[sflag:s22] =	ssyncset.done $0x0  }
0x51: {  	[sflag:s22] =	ssyncadd.s32 $0xFFFFFF80  }
0x52: {  	_ =	swait.ge [sflag:s22], $0x80  }
0x53: {  	[sflag:s22] =	ssyncset.done $0x0  }
0x54: {  	[sflag:s22] =	ssyncadd.s32 $0xFFFFFF80  }
0x55: {  	_ =	swait.ge [sflag:s22], $0x80  }
0x56: {  	[sflag:s22] =	ssyncset.done $0x0  }
0x57: {  	[sflag:s22] =	ssyncadd.s32 $0xFFFFFF80  }
0x58: {  	_ =	swait.ge [sflag:s22], $0x80  }
0x59: {  	[sflag:s22] =	ssyncset.done $0x0  }
0x5a: {  	[sflag:s22] =	ssyncadd.s32 $0xFFFFFF80  }
0x5b: {  	_ =	swait.ge [sflag:s22], $0x80  }
0x5c: {  	[sflag:s22] =	ssyncset.done $0x0  }
0x5d: {  	[sflag:s22] =	ssyncadd.s32 $0xFFFFFF80  }
0x5e: {  	_ =	swait.ge [sflag:s22], $0x80  }
0x5f: {  	[sflag:s22] =	ssyncset.done $0x0  }
0x60: {  	[sflag:s22] =	ssyncadd.s32 $0xFFFFFF80  }
0x61: {  	_ =	swait.ge [sflag:s22], $0x80  }
0x62: {  	[sflag:s22] =	ssyncset.done $0x0  }
0x63: {  	[sflag:s22] =	ssyncadd.s32 $0xFFFFFF80  }
0x64: {  	_ =	swait.ge [sflag:s22], $0x80  }
0x65: {  	[sflag:s22] =	ssyncset.done $0x0  }
0x66: {  	[sflag:s22] =	ssyncadd.s32 $0xFFFFFF80  }
0x67: {  	_ =	swait.ge [sflag:s22], $0x80  }
0x68: {  	[sflag:s22] =	ssyncset.done $0x0  }
0x69: {  	[sflag:s22] =	ssyncadd.s32 $0xFFFFFF80  }
0x6a: {  	v14 =	vld [tilespmem:$0x1000];
	_ =	sdelay $0x3  }
0x6b: {  	s28 =	simm.s32 $0x0  }
0x6c: {  	v24 =	vld [tilespmem:s28+$0x30];
	v19 =	vperm.xlane v14, v0  }
0x6d: {  	v27 =	vld [tilespmem:s28+$0x10];
	v20 =	vperm.xlane v14, v1;
	v13 =	vperm.xlane v14, v2  }
0x6e: {  	v25 =	vld [tilespmem:s28+$0x0];
	v12 =	vperm.xlane v14, v3;
	v21 =	vperm.xlane v14, v4  }
0x6f: {  	v18 =	vperm.xlane v14, v5;
	v17 =	vperm.xlane v14, v6  }
0x70: {  	v26 =	vld [tilespmem:s28+$0x20];
	v15 =	vperm.xlane v14, v7;
	v22 =	vperm.xlane v14, v8  }
0x71: {  	v23 =	vperm.xlane v14, v9;
	v16 =	vperm.xlane v14, v10  }
0x72: {  	v28 =	vand.u32 $0x1FF, v24;
	v24 =	vshrl.u32 v24, $0x9;
	v14 =	vperm.xlane v14, v11  }
0x73: {  	v31 =	vand.u32 $0x1FF, v27;
	v32 =	vshrl.u32 v25, $0x9;
	v33 =	vand.u32 $0x1FF, v25  }
0x74: {  	v27 =	vshrl.u32 v27, $0x9;
	v29 =	vcvt.s32.f32 v28;
	v24 =	vand.u32 $0x1FF, v24  }
0x75: {  	v28 =	vshrl.u32 v26, $0x9;
	v26 =	vand.u32 $0x1FF, v26;
	v36 =	vcvt.s32.f32 v33  }
0x76: {  	v32 =	vand.u32 $0x1FF, v32;
	v31 =	vcvt.s32.f32 v31;
	v24 =	vcvt.s32.f32 v24  }
0x77: {  	v35 =	vand.u32 $0x1FF, v27;
	v38 =	vcvt.s32.f32 v26;
	v32 =	vcvt.s32.f32 v32  }
0x78: {  	v26 =	vand.u32 $0x1FF, v28;
	v42 =	vcvt.s32.f32 v35;
	v25 =	vmul.f32 v29, v22  }
0x79: {  	v61 =	vmul.f32 v29, v21;
	v28 =	vcvt.s32.f32 v26  }
0x7a: {  	v26 =	vmul.f32 v31, v22;
	v40 =	vmul.f32 v36, v21  }
0x7b: {  	v35 =	vmul.f32 v29, v19;
	v43 =	vmul.f32 v31, v19  }
0x7c: {  	v41 =	vmul.f32 v36, v22;
	v63 =	vmul.f32 v36, v19  }
0x7d: {  	v50 =	vmul.f32 v31, v21;
	v34 =	vmul.f32 v24, v18  }
0x7e: {  	v30 =	vmul.f32 v24, v20;
	v27 =	vmul.f32 v38, v21  }
0x7f: {  	v29 =	vmul.f32 v32, v23;
	v62 =	vmul.f32 v32, v18;
	v33 =	vadd.f32 v34, v61  }
0x80: {  	v32 =	vmul.f32 v32, v20;
	v39 =	vmul.f32 v38, v22  }
0x81: {  	v45 =	vmul.f32 v42, v20;
	v48 =	vmul.f32 v38, v19;
	v37 =	vadd.f32 v33, v17;
	v33 =	vld [tilespmem:s28+$0x800]  }
0x82: {  	v44 =	vmul.f32 v28, v20;
	v34 =	vadd.f32 v62, v40;
	v46 =	vadd.f32 v32, v63;
	v32 =	vld [tilespmem:s28+$0x830]  }
0x83: {  	v47 =	vmul.f32 v42, v18;
	v29 =	vadd.f32 v29, v41;
	v40 =	vadd.f32 v45, v43  }
0x84: {  	v36 =	vmul.f32 v24, v23;
	v31 =	vadd.f32 v44, v48;
	v49 =	vadd.f32 v34, v17  }
0x85: {  	v41 =	vmul.f32 v28, v23;
	v44 =	vadd.f32 v47, v50;
	v38 =	vadd.f32 v29, v16;
	v29 =	vld [tilespmem:s28+$0x810]  }
0x86: {  	s29 =	simm.s32 $0x100;
	v24 =	vld [tilespmem:s28+$0x820];
	v34 =	vmul.f32 v42, v23;
	v42 =	vadd.f32 v46, v13;
	v43 =	vmul.f32 v49, v33  }
.LBB2_2:
0x87: {  	s30 =	sshra.s32 s29, $0x2;
	p0 =	sne.s32 s29, $0x1F00;
	s29 =	sadd.s32 $0x100, s29;
	v39 =	vadd.f32 v41, v39;
	v30 =	vadd.f32 v30, v35;
	v35 =	vmul.f32 v37, v32  }
0x88: {  	v37 =	vld [tilespmem:s30+$0x30];
	v41 =	vmul.f32 v42, v33;
	v42 =	vadd.f32 v43, v15;
	v43 =	vadd.f32 v44, v17  }
0x89: {  	v33 =	vmul.f32 v38, v33;
	v44 =	vld [tilespmem:s30+$0x20];
	v30 =	vadd.f32 v30, v13;
	v35 =	vadd.f32 v35, v15  }
0x8a: {  	v39 =	vadd.f32 v39, v16;
	v38 =	vld [tilespmem:s30+$0x10];
	v41 =	vadd.f32 v41, v12;
	[tilespmem:s28+$0x1880] =	vst v42;
	v42 =	vmul.f32 v43, v29  }
0x8b: {  	v40 =	vadd.f32 v40, v13;
	v25 =	vadd.f32 v36, v25;
	v43 =	vld [tilespmem:s30+$0x0];
	v30 =	vmul.f32 v30, v32;
	[tilespmem:s28+$0x18B0] =	vst v35  }
0x8c: {  	v28 =	vmul.f32 v28, v18;
	v39 =	vmul.f32 v39, v24;
	v36 =	vld [tilespmem:s30+$0x820];
	[tilespmem:s28+$0x1080] =	vst v41;
	v35 =	vadd.f32 v42, v15  }
0x8d: {  	v25 =	vadd.f32 v25, v16;
	v41 =	vand.u32 $0x1FF, v37;
	v30 =	vadd.f32 v30, v12  }
0x8e: {  	v37 =	vshrl.u32 v37, $0x9;
	v42 =	vshrl.u32 v44, $0x9;
	v41 =	vcvt.s32.f32 v41;
	[tilespmem:s28+$0x1890] =	vst v35  }
0x8f: {  	v32 =	vmul.f32 v25, v32;
	v37 =	vand.u32 $0x1FF, v37;
	v35 =	vshrl.u32 v38, $0x9;
	[tilespmem:s28+$0x10B0] =	vst v30  }
0x90: {  	v27 =	vadd.f32 v28, v27;
	v38 =	vand.u32 $0x1FF, v38;
	v35 =	vand.u32 $0x1FF, v35  }
0x91: {  	v26 =	vadd.f32 v34, v26;
	v45 =	vcvt.s32.f32 v37;
	v28 =	vshrl.u32 v43, $0x9  }
0x92: {  	v27 =	vadd.f32 v27, v17;
	v34 =	vand.u32 $0x1FF, v43;
	v25 =	vmul.f32 v41, v22  }
0x93: {  	v43 =	vadd.f32 v26, v16;
	v28 =	vand.u32 $0x1FF, v28;
	v37 =	vmul.f32 v45, v18  }
0x94: {  	v40 =	vmul.f32 v40, v29;
	v26 =	vand.u32 $0x1FF, v44;
	v30 =	vmul.f32 v45, v20  }
0x95: {  	v31 =	vadd.f32 v31, v13;
	v44 =	vcvt.s32.f32 v26;
	v26 =	vmul.f32 v27, v24  }
0x96: {  	v40 =	vadd.f32 v40, v12;
	v34 =	vcvt.s32.f32 v34;
	v27 =	vand.u32 $0x1FF, v42  }
0x97: {  	v42 =	vcvt.s32.f32 v38;
	v38 =	vmul.f32 v41, v21;
	v46 =	vadd.f32 v26, v15  }
0x98: {  	v39 =	vadd.f32 v39, v14;
	v47 =	vcvt.s32.f32 v28;
	v28 =	vcvt.s32.f32 v27  }
0x99: {  	v26 =	vmul.f32 v42, v22;
	v27 =	vmul.f32 v44, v21;
	v37 =	vadd.f32 v37, v38;
	[tilespmem:s28+$0x1090] =	vst v40  }
0x9a: {  	v32 =	vadd.f32 v32, v14;
	v48 =	vcvt.s32.f32 v35;
	v29 =	vmul.f32 v43, v29;
	[tilespmem:s28+$0x20A0] =	vst v39  }
0x9b: {  	v33 =	vadd.f32 v33, v14;
	v35 =	vmul.f32 v41, v19;
	v38 =	vmul.f32 v34, v21;
	[tilespmem:s28+$0x18A0] =	vst v46  }
0x9c: {  	v37 =	vadd.f32 v37, v17;
	v40 =	vmul.f32 v47, v23;
	v39 =	vmul.f32 v31, v24;
	[tilespmem:s28+$0x20B0] =	vst v32  }
0x9d: {  	v43 =	vmul.f32 v42, v19;
	v29 =	vadd.f32 v29, v14;
	v31 =	vmul.f32 v47, v18;
	[tilespmem:s28+$0x2080] =	vst v33  }
0x9e: {  	v24 =	vmovc v36;
	v46 =	vmul.f32 v47, v20;
	v47 =	vmul.f32 v28, v20;
	v32 =	vadd.f32 v39, v12  }
0x9f: {  	v31 =	vadd.f32 v31, v38;
	v38 =	vmul.f32 v34, v22;
	v39 =	vmul.f32 v44, v22;
	[tilespmem:s28+$0x2090] =	vst v29  }
0xa0: {  	v36 =	vmul.f32 v45, v23;
	v29 =	vmul.f32 v34, v19;
	v33 =	vld [tilespmem:s30+$0x800];
	[tilespmem:s28+$0x10A0] =	vst v32;
	s28 =	smov.u32 s30  }
.Ltmp0:
0xa1: {  	v41 =	vmul.f32 v28, v23;
	v34 =	vadd.f32 v40, v38;
	v40 =	vmul.f32 v48, v20;
	v32 =	vld [tilespmem:s28+$0x830];
	(pc) =	sbr.rel @p0 .LBB2_2-.Ltmp0, $4  }
0xa2: {  	v44 =	vmul.f32 v44, v19;
	v45 =	vadd.f32 v46, v29;
	v46 =	vmul.f32 v48, v18  }
0xa3: {  	v50 =	vmul.f32 v42, v21;
	v49 =	vadd.f32 v31, v17;
	v38 =	vadd.f32 v34, v16  }
0xa4: {  	v31 =	vadd.f32 v47, v44;
	v40 =	vadd.f32 v40, v43;
	v34 =	vmul.f32 v48, v23;
	v29 =	vld [tilespmem:s28+$0x810]  }
0xa5: {  	v42 =	vadd.f32 v45, v13;
	v44 =	vadd.f32 v46, v50;
	v43 =	vmul.f32 v49, v33  }
0xa6: {  	v19 =	vadd.f32 v41, v39;
	v20 =	vadd.f32 v30, v35  }
0xa7: {  	v21 =	vmul.f32 v37, v32;
	v48 =	vadd.f32 v40, v13;
	v49 =	vadd.f32 v36, v25  }
0xa8: {  	v18 =	vmul.f32 v28, v18;
	v54 =	vadd.f32 v34, v26;
	v58 =	vadd.f32 v31, v13  }
0xa9: {  	v57 =	vmul.f32 v38, v33;
	v23 =	vadd.f32 v43, v15;
	v46 =	vadd.f32 v44, v17  }
0xaa: {  	v22 =	vmul.f32 v42, v33;
	v20 =	vadd.f32 v20, v13;
	v21 =	vadd.f32 v21, v15  }
0xab: {  	v19 =	vadd.f32 v19, v16;
	v61 =	vadd.f32 v57, v14;
	v13 =	vmul.f32 v58, v24;
	[tilespmem:s28+$0x1880] =	vst v23  }
0xac: {  	v18 =	vadd.f32 v18, v27;
	v22 =	vadd.f32 v22, v12;
	v47 =	vmul.f32 v46, v29;
	[tilespmem:s28+$0x18B0] =	vst v21  }
0xad: {  	v53 =	vadd.f32 v49, v16;
	v52 =	vmul.f32 v48, v29;
	[tilespmem:s28+$0x2080] =	vst v61;
	v63 =	vadd.f32 v13, v12  }
0xae: {  	v56 =	vadd.f32 v54, v16;
	v20 =	vmul.f32 v20, v32;
	v50 =	vadd.f32 v47, v15;
	[tilespmem:s28+$0x1080] =	vst v22  }
0xaf: {  	v51 =	vadd.f32 v18, v17;
	v19 =	vmul.f32 v19, v24;
	v18 =	vadd.f32 v52, v12;
	[tilespmem:s28+$0x10A0] =	vst v63  }
0xb0: {  	v55 =	vmul.f32 v53, v32;
	v20 =	vadd.f32 v20, v12;
	[tilespmem:s28+$0x1890] =	vst v50  }
0xb1: {  	v16 =	vmul.f32 v56, v29;
	v19 =	vadd.f32 v19, v14;
	[tilespmem:s28+$0x1090] =	vst v18  }
0xb2: {  	v17 =	vmul.f32 v51, v24;
	v60 =	vadd.f32 v55, v14;
	[tilespmem:s28+$0x10B0] =	vst v20  }
0xb3: {  	v62 =	vadd.f32 v16, v14;
	[tilespmem:s28+$0x20A0] =	vst v19  }
0xb4: {  	v59 =	vadd.f32 v17, v15;
	[tilespmem:s28+$0x20B0] =	vst v60  }
0xb5: {  	[tilespmem:s28+$0x2090] =	vst v62  }
0xb6: {  	[tilespmem:s28+$0x18A0] =	vst v59  }
0xb7: {  	[hbm4b:s5+s2] =	stream.linear.scatter [tilespmem:s23], [sflag:$0x2], $0x800, $0x38;
	[tilespmem:$0x2880] =	vst v63  }
0xb8: {  	_ =	swait.ge [sflag:s10], $0x800  }
0xb9: {  	[sflag:s10] =	ssyncset.done $0x0  }
0xba: {  	[sflag:s10] =	ssyncadd.s32 $0xFFFFF800  }
0xbb: {  	[hbm4b:s7+s2] =	stream.linear.scatter [tilespmem:s24], [sflag:$0x2], $0x800, $0x38;
	[tilespmem:$0x2880] =	vst v63  }
0xbc: {  	s26 =	sadd.s32 $0x1, s26;
	_ =	swait.ge [sflag:s10], $0x800  }
0xbd: {  	p0 =	sne.s32 s26, s9;
	[sflag:s10] =	ssyncset.done $0x0  }
.Ltmp1:
0xbe: {  	[sflag:s10] =	ssyncadd.s32 $0xFFFFF800;
	(pc) =	sbr.rel @p0 .LBB2_1-.Ltmp1, $4  }
0xbf: {  	[hbm4b:s8+s2] =	stream.linear.scatter [tilespmem:s25], [sflag:$0x2], $0x800, $0x38;
	[tilespmem:$0x2880] =	vst v63  }
0xc0: {  	_ =	swait.ge [sflag:s10], $0x800  }
0xc1: {  	[sflag:s10] =	ssyncset.done $0x0  }
0xc2: {  	[sflag:s10] =	ssyncadd.s32 $0xFFFFF800  }
0xc3: {  	_ =	sfence.sel $0x180000  }
0xc4: {  	[bflag:$0x0] =	sbarrier.arrive $0xFFFF  }
0xc5: {  	_ =	strace $0x90000047  }
0xc6: {  	s0 =	stileid.u32;
	[bflag:$0x2] =	sbarrier.arrive $0xFFFF  }
0xc7: {  	p0 =	sne.s32 s0, $0x0;
	s0 =	rddreg [dreg:$0x2]  }
0xc8: {  	s0 =	sadd.s32 @!p0 $0x100000, s0  }
0xc9: {  	[sflag:s0] =	ssyncadd.tile.s32 @!p0 $0x1;
	_ =	shalt  }
.Lfunc_end2:
_tile_overlayer_lowered:
.L_overlay_start_2:
0xca: {  	(tag) =	ssettag $0x2  }
0xcb: {  	s0 =	rddreg [dreg:$0x0];
	s2 =	stileid.u32  }
0xcc: {  	s1 =	rddreg [dreg:$0x1];
	p0 =	sne.s32 s2, $0x0  }
0xcd: {  	s3 =	rddreg [dreg:$0x2];
	[bflag:$0x3] =	sbarrier.arrive $0xFFFF;
	s2 =	simm.s32 @!p0 $0x1C02  }
0xce: {  	[timem:s3], [sflag:s2] =	dma.local @!p0 [hbm:s0], s1  }
0xcf: {  	s0 =	simm.s32 @!p0 $0x2  }
0xd0: {  	_ =	swait.ge @!p0 [sflag:s0], s1  }
0xd1: {  	s1 =	ssub.s32 @!p0 $0x0, s1;
	[sflag:s0] =	ssyncset.done @!p0 $0x0  }
0xd2: {  	[sflag:s0] =	ssyncadd.s32 @!p0 s1  }
0xd3: {  	[bflag:$0x3] =	sbarrier.arrive $0xFFFF  }
0xd4: {  	_ =	shalt  }

</sc_bundles>
